<compile_context>
chip_gen: v7x
topology: tpu7x:2x2x1
jax: 0.10.2.dev20260603
libtpu: 0.0.44.dev20260713+nightly
codegen_flags: <defaults>
</compile_context>

<pallas_src>
import functools

import jax
import jax.numpy as jnp
from jax import lax
from jax.experimental import pallas as pl
from jax.experimental.pallas import tpu as pltpu
from jax.experimental.pallas import tpu_sc as plsc

_D_EMBED = 64
_SCALE = float(_D_EMBED) ** 0.5
_LANES = 16
_NUM_WORKERS = 32
_NBUF = 2
_SPLIT = 128


def _make_lookup(nrow: int, ncol: int):
    assert nrow % (_NUM_WORKERS * _NBUF) == 0
    rpw = nrow // _NUM_WORKERS
    nca = _SPLIT
    ncb = ncol - _SPLIT
    mesh = plsc.VectorSubcoreMesh(core_axis_name="c", subcore_axis_name="s")

    @functools.partial(
        pl.kernel,
        mesh=mesh,
        out_type=jax.ShapeDtypeStruct((nrow * ncol // 2, 2 * _D_EMBED), jnp.float32),
        scratch_types=[
            pltpu.VMEM((rpw, nca), jnp.float32),
            pltpu.VMEM((rpw, ncb), jnp.float32),
            pltpu.VMEM((rpw * ncol,), jnp.int32),
            pltpu.VMEM((_NBUF, ncol, _D_EMBED), jnp.float32),
            pltpu.VMEM((_NBUF, ncol // 2, 2 * _D_EMBED), jnp.float32),
            [pltpu.SemaphoreType.DMA] * _NBUF,
            [pltpu.SemaphoreType.DMA] * _NBUF,
        ],
        compiler_params=pltpu.CompilerParams(use_tc_tiling_on_sc=False),
    )
    def lookup(
        table_hbm, idxa_hbm, idxb_hbm, out_hbm,
        idx_a, idx_b, idx_v, gbuf, wbuf, gsems, wsems,
    ):
        wid = lax.axis_index("s") * 2 + lax.axis_index("c")
        base = wid * rpw
        pltpu.sync_copy(idxa_hbm.at[pl.ds(base, rpw)], idx_a)
        pltpu.sync_copy(idxb_hbm.at[pl.ds(base, rpw)], idx_b)

        @plsc.parallel_loop(0, rpw, unroll=4)
        def _(r):
            for j in range(nca // _LANES):
                sl = pl.ds(j * _LANES, _LANES)
                dst = pl.ds(r * ncol + j * _LANES, _LANES)
                idx_v[dst] = jax.lax.bitcast_convert_type(idx_a[r, sl], jnp.int32)
            for j in range(ncb // _LANES):
                sl = pl.ds(j * _LANES, _LANES)
                dst = pl.ds(r * ncol + nca + j * _LANES, _LANES)
                idx_v[dst] = jax.lax.bitcast_convert_type(idx_b[r, sl], jnp.int32)
            tail = ncb - (ncb // _LANES) * _LANES
            if tail:
                sl = pl.ds(ncb - _LANES, _LANES)
                dst = pl.ds(r * ncol + ncol - _LANES, _LANES)
                idx_v[dst] = jax.lax.bitcast_convert_type(idx_b[r, sl], jnp.int32)

        def gather_start(row, b):
            pltpu.async_copy(
                table_hbm.at[idx_v.at[pl.ds(row * ncol, ncol)]],
                gbuf.at[b],
                gsems[b],
            )

        for b in range(_NBUF):
            gather_start(b, b)

        @pl.loop(0, rpw, step=_NBUF)
        def _(g0):
            for b in range(_NBUF):
                g = g0 + b

                @pl.when(g >= _NBUF)
                def _():
                    pltpu.make_async_copy(
                        wbuf.at[b],
                        out_hbm.at[pl.ds(base * ncol // 2, ncol // 2)],
                        wsems[b],
                    ).wait()

                pltpu.make_async_copy(
                    table_hbm.at[idx_v.at[pl.ds(g * ncol, ncol)]],
                    gbuf.at[b],
                    gsems[b],
                ).wait()

                @plsc.parallel_loop(0, ncol // 2, unroll=4)
                def _(i):
                    for j in range(2 * _D_EMBED // _LANES):
                        wbuf[b, i, pl.ds(j * _LANES, _LANES)] = (
                            gbuf[b, 2 * i + j // 4, pl.ds((j % 4) * _LANES, _LANES)]
                            * _SCALE
                        )

                pltpu.async_copy(
                    wbuf.at[b],
                    out_hbm.at[pl.ds((base + g) * ncol // 2, ncol // 2)],
                    wsems[b],
                )

                @pl.when(g + _NBUF < rpw)
                def _():
                    gather_start(g + _NBUF, b)

        for b in range(_NBUF):
            pltpu.make_async_copy(
                wbuf.at[b], out_hbm.at[pl.ds(base * ncol // 2, ncol // 2)], wsems[b]
            ).wait()

    return lookup


def kernel(inp, emb_weight):
    b, t = inp.shape
    bits = jax.lax.bitcast_convert_type(inp, jnp.float32)
    idx_a = bits[:, :_SPLIT]
    idx_b = bits[:, _SPLIT:]
    flat = _make_lookup(b, t)(emb_weight, idx_a, idx_b)
    return flat.reshape(b, t, _D_EMBED)

# --- scband reference (transcript-rebuilt; emitter-appended) ---
"""Pipeline reference for scband-adaptive-embedding-32452772888672 (READ-ONLY COPY).

The authoritative reference and input builder live on the scoring server;
editing this copy changes nothing except your own understanding.
"""

import jax, jax.numpy as jnp
import numpy as np

N_TOKEN = 1000000
D_EMBED = 64
D_PROJ = 64
EMB_SCALE = D_PROJ ** 0.5


def setup_inputs(seed: int = 0) -> dict:
    key = jax.random.key(seed)
    k1, k2 = jax.random.split(key)
    inp = jax.random.randint(k1, (4096, 200), 0, N_TOKEN, dtype=jnp.int64 if jax.config.jax_enable_x64 else jnp.int32).astype(jnp.int32)
    emb_weight = jax.random.normal(k2, (N_TOKEN, D_EMBED), dtype=jnp.float32) * 0.02
    return {"inp": inp, "emb_weight": emb_weight}


def reference(inp, emb_weight):
    # AdaptiveEmbedding forward with d_proj == d_embed: lookup then scale.
    embed = jnp.take(emb_weight, inp, axis=0)
    embed = embed * EMB_SCALE
    return embed

if __name__ == "__main__":
    import jax
    _d = setup_inputs()
    print(jax.jit(kernel)(*tuple(_d.values())))

</pallas_src>

<mosaic_0001>
#map = affine_map<(d0, d1) -> (0, 0)>
module attributes {stable_mosaic.version = 14 : i64} {
  func.func @lookup(%arg0: i32, %arg1: i32, %arg2: memref<1000000x64xf32, #tpu.memory_space<hbm>>, %arg3: memref<4096x128xf32, #tpu.memory_space<hbm>>, %arg4: memref<4096x72xf32, #tpu.memory_space<hbm>>, %arg5: memref<409600x128xf32, #tpu.memory_space<hbm>>, %arg6: memref<128x128xf32, #tpu.memory_space<vmem>>, %arg7: memref<128x72xf32, #tpu.memory_space<vmem>>, %arg8: memref<25600xi32, #tpu.memory_space<vmem>>, %arg9: memref<2x200x64xf32, #tpu.memory_space<vmem>>, %arg10: memref<2x100x128xf32, #tpu.memory_space<vmem>>, %arg11: memref<!tpu.dma_semaphore, #tpu.memory_space<semaphore_mem>>, %arg12: memref<!tpu.dma_semaphore, #tpu.memory_space<semaphore_mem>>, %arg13: memref<!tpu.dma_semaphore, #tpu.memory_space<semaphore_mem>>, %arg14: memref<!tpu.dma_semaphore, #tpu.memory_space<semaphore_mem>>) attributes {dimension_semantics = [#tpu.dimension_semantics<core_parallel>, #tpu.dimension_semantics<subcore_parallel>], iteration_bounds = array<i64: 2, 16>, scalar_prefetch = 0 : i64, scratch_operands = 9 : i64, tpu.core_type = #tpu.core_type<sc_vector_subcore>, window_params = [{transform_indices = #map}, {transform_indices = #map}, {transform_indices = #map}, {transform_indices = #map}]} {
    %mul3A = arith.constant 2 : i32
    %mul3A_0 = arith.muli %arg1, %mul3A : i32
    %add3A = arith.addi %mul3A_0, %arg0 : i32
    %mul3A_1 = arith.constant 128 : i32
    %mul3A_2 = arith.muli %add3A, %mul3A_1 : i32
    "tpu.region"() ({
      %run_scoped3A = tpu.sem_alloc : memref<!tpu.dma_semaphore, #tpu.memory_space<semaphore_mem>>
      %dma_start3A_97 = arith.constant 0 : i32
      %dma_start3A_98 = tpu.memref_slice %arg3[%mul3A_2, %dma_start3A_97] : memref<4096x128xf32, #tpu.memory_space<hbm>> -> memref<128x128xf32, #tpu.memory_space<hbm>>
      %dma_start3A_99 = arith.constant 0 : i32
      %dma_start3A_100 = tpu.memref_slice %arg3[%mul3A_2, %dma_start3A_99] : memref<4096x128xf32, #tpu.memory_space<hbm>> -> memref<128x128xf32, #tpu.memory_space<hbm>>
      tpu.enqueue_dma source(%dma_start3A_100 : memref<128x128xf32, #tpu.memory_space<hbm>>) target(%arg6 : memref<128x128xf32, #tpu.memory_space<vmem>>) target_semaphore(%run_scoped3A : memref<!tpu.dma_semaphore, #tpu.memory_space<semaphore_mem>>)
      %dma_wait3A_101 = arith.constant 0 : i32
      %dma_wait3A_102 = tpu.memref_slice %arg3[%mul3A_2, %dma_wait3A_101] : memref<4096x128xf32, #tpu.memory_space<hbm>> -> memref<128x128xf32, #tpu.memory_space<hbm>>
      %dma_wait3A_103 = arith.constant 0 : i32
      %dma_wait3A_104 = tpu.memref_slice %arg3[%mul3A_2, %dma_wait3A_103] : memref<4096x128xf32, #tpu.memory_space<hbm>> -> memref<128x128xf32, #tpu.memory_space<hbm>>
      tpu.wait_dma2 semaphore(%run_scoped3A : memref<!tpu.dma_semaphore, #tpu.memory_space<semaphore_mem>>) src(%dma_wait3A_104 : memref<128x128xf32, #tpu.memory_space<hbm>>) dst(%arg6 : memref<128x128xf32, #tpu.memory_space<vmem>>)
      tpu.yield
    }) : () -> ()
    "tpu.region"() ({
      %run_scoped3A = tpu.sem_alloc : memref<!tpu.dma_semaphore, #tpu.memory_space<semaphore_mem>>
      %dma_start3A_97 = arith.constant 0 : i32
      %dma_start3A_98 = tpu.memref_slice %arg4[%mul3A_2, %dma_start3A_97] : memref<4096x72xf32, #tpu.memory_space<hbm>> -> memref<128x72xf32, #tpu.memory_space<hbm>>
      %dma_start3A_99 = arith.constant 0 : i32
      %dma_start3A_100 = tpu.memref_slice %arg4[%mul3A_2, %dma_start3A_99] : memref<4096x72xf32, #tpu.memory_space<hbm>> -> memref<128x72xf32, #tpu.memory_space<hbm>>
      tpu.enqueue_dma source(%dma_start3A_100 : memref<128x72xf32, #tpu.memory_space<hbm>>) target(%arg7 : memref<128x72xf32, #tpu.memory_space<vmem>>) target_semaphore(%run_scoped3A : memref<!tpu.dma_semaphore, #tpu.memory_space<semaphore_mem>>)
      %dma_wait3A_101 = arith.constant 0 : i32
      %dma_wait3A_102 = tpu.memref_slice %arg4[%mul3A_2, %dma_wait3A_101] : memref<4096x72xf32, #tpu.memory_space<hbm>> -> memref<128x72xf32, #tpu.memory_space<hbm>>
      %dma_wait3A_103 = arith.constant 0 : i32
      %dma_wait3A_104 = tpu.memref_slice %arg4[%mul3A_2, %dma_wait3A_103] : memref<4096x72xf32, #tpu.memory_space<hbm>> -> memref<128x72xf32, #tpu.memory_space<hbm>>
      tpu.wait_dma2 semaphore(%run_scoped3A : memref<!tpu.dma_semaphore, #tpu.memory_space<semaphore_mem>>) src(%dma_wait3A_104 : memref<128x72xf32, #tpu.memory_space<hbm>>) dst(%arg7 : memref<128x72xf32, #tpu.memory_space<vmem>>)
      tpu.yield
    }) : () -> ()
    %parallel_loop3A = arith.constant 0 : i32
    %parallel_loop3A_3 = arith.constant 128 : i32
    %parallel_loop3A_4 = arith.constant 1 : i32
    scf.for %parallel_loop3A_97 = %parallel_loop3A to %parallel_loop3A_3 step %parallel_loop3A_4  : i32 {
      %parallel_loop3A_98 = arith.constant 200 : i32
      %parallel_loop3A_99 = arith.muli %parallel_loop3A_97, %parallel_loop3A_98 : i32
      %parallel_loop3A_100 = arith.constant 0 : i32
      %parallel_loop3A_101 = arith.addi %parallel_loop3A_99, %parallel_loop3A_100 : i32
      %parallel_loop3A_102 = arith.index_cast %parallel_loop3A_97 : i32 to index
      %parallel_loop3A_103 = arith.constant 0 : index
      %parallel_loop3A_104 = tpu.vector_load %arg6[%parallel_loop3A_102, %parallel_loop3A_103] {strides = array<i32>} : memref<128x128xf32, #tpu.memory_space<vmem>>, vector<1x16xf32>,
      %parallel_loop3A_105 = vector.shape_cast %parallel_loop3A_104 : vector<1x16xf32> to vector<16xf32>
      %parallel_loop3A_106 = tpu.bitcast %parallel_loop3A_105 : vector<16xf32> -> vector<16xi32>
      %parallel_loop3A_107 = arith.index_cast %parallel_loop3A_101 : i32 to index
      %parallel_loop3A_108 = tpu.vector_load %arg8[%parallel_loop3A_107] {strides = array<i32>} : memref<25600xi32, #tpu.memory_space<vmem>>, vector<16xi32>,
      %parallel_loop3A_109 = vector.shape_cast %parallel_loop3A_108 : vector<16xi32> to vector<16xi32>
      %parallel_loop3A_110 = vector.shape_cast %parallel_loop3A_106 : vector<16xi32> to vector<16xi32>
      tpu.vector_store %arg8[%parallel_loop3A_107], %parallel_loop3A_110 {strides = array<i32>} : memref<25600xi32, #tpu.memory_space<vmem>>, vector<16xi32>,
      %parallel_loop3A_111 = arith.constant 200 : i32
      %parallel_loop3A_112 = arith.muli %parallel_loop3A_97, %parallel_loop3A_111 : i32
      %parallel_loop3A_113 = arith.constant 16 : i32
      %parallel_loop3A_114 = arith.addi %parallel_loop3A_112, %parallel_loop3A_113 : i32
      %parallel_loop3A_115 = arith.index_cast %parallel_loop3A_97 : i32 to index
      %parallel_loop3A_116 = arith.constant 16 : index
      %parallel_loop3A_117 = tpu.vector_load %arg6[%parallel_loop3A_115, %parallel_loop3A_116] {strides = array<i32>} : memref<128x128xf32, #tpu.memory_space<vmem>>, vector<1x16xf32>,
      %parallel_loop3A_118 = vector.shape_cast %parallel_loop3A_117 : vector<1x16xf32> to vector<16xf32>
      %parallel_loop3A_119 = tpu.bitcast %parallel_loop3A_118 : vector<16xf32> -> vector<16xi32>
      %parallel_loop3A_120 = arith.index_cast %parallel_loop3A_114 : i32 to index
      %parallel_loop3A_121 = tpu.vector_load %arg8[%parallel_loop3A_120] {strides = array<i32>} : memref<25600xi32, #tpu.memory_space<vmem>>, vector<16xi32>,
      %parallel_loop3A_122 = vector.shape_cast %parallel_loop3A_121 : vector<16xi32> to vector<16xi32>
      %parallel_loop3A_123 = vector.shape_cast %parallel_loop3A_119 : vector<16xi32> to vector<16xi32>
      tpu.vector_store %arg8[%parallel_loop3A_120], %parallel_loop3A_123 {strides = array<i32>} : memref<25600xi32, #tpu.memory_space<vmem>>, vector<16xi32>,
      %parallel_loop3A_124 = arith.constant 200 : i32
      %parallel_loop3A_125 = arith.muli %parallel_loop3A_97, %parallel_loop3A_124 : i32
      %parallel_loop3A_126 = arith.constant 32 : i32
      %parallel_loop3A_127 = arith.addi %parallel_loop3A_125, %parallel_loop3A_126 : i32
      %parallel_loop3A_128 = arith.index_cast %parallel_loop3A_97 : i32 to index
      %parallel_loop3A_129 = arith.constant 32 : index
      %parallel_loop3A_130 = tpu.vector_load %arg6[%parallel_loop3A_128, %parallel_loop3A_129] {strides = array<i32>} : memref<128x128xf32, #tpu.memory_space<vmem>>, vector<1x16xf32>,
      %parallel_loop3A_131 = vector.shape_cast %parallel_loop3A_130 : vector<1x16xf32> to vector<16xf32>
      %parallel_loop3A_132 = tpu.bitcast %parallel_loop3A_131 : vector<16xf32> -> vector<16xi32>
      %parallel_loop3A_133 = arith.index_cast %parallel_loop3A_127 : i32 to index
      %parallel_loop3A_134 = tpu.vector_load %arg8[%parallel_loop3A_133] {strides = array<i32>} : memref<25600xi32, #tpu.memory_space<vmem>>, vector<16xi32>,
      %parallel_loop3A_135 = vector.shape_cast %parallel_loop3A_134 : vector<16xi32> to vector<16xi32>
      %parallel_loop3A_136 = vector.shape_cast %parallel_loop3A_132 : vector<16xi32> to vector<16xi32>
      tpu.vector_store %arg8[%parallel_loop3A_133], %parallel_loop3A_136 {strides = array<i32>} : memref<25600xi32, #tpu.memory_space<vmem>>, vector<16xi32>,
      %parallel_loop3A_137 = arith.constant 200 : i32
      %parallel_loop3A_138 = arith.muli %parallel_loop3A_97, %parallel_loop3A_137 : i32
      %parallel_loop3A_139 = arith.constant 48 : i32
      %parallel_loop3A_140 = arith.addi %parallel_loop3A_138, %parallel_loop3A_139 : i32
      %parallel_loop3A_141 = arith.index_cast %parallel_loop3A_97 : i32 to index
      %parallel_loop3A_142 = arith.constant 48 : index
      %parallel_loop3A_143 = tpu.vector_load %arg6[%parallel_loop3A_141, %parallel_loop3A_142] {strides = array<i32>} : memref<128x128xf32, #tpu.memory_space<vmem>>, vector<1x16xf32>,
      %parallel_loop3A_144 = vector.shape_cast %parallel_loop3A_143 : vector<1x16xf32> to vector<16xf32>
      %parallel_loop3A_145 = tpu.bitcast %parallel_loop3A_144 : vector<16xf32> -> vector<16xi32>
      %parallel_loop3A_146 = arith.index_cast %parallel_loop3A_140 : i32 to index
      %parallel_loop3A_147 = tpu.vector_load %arg8[%parallel_loop3A_146] {strides = array<i32>} : memref<25600xi32, #tpu.memory_space<vmem>>, vector<16xi32>,
      %parallel_loop3A_148 = vector.shape_cast %parallel_loop3A_147 : vector<16xi32> to vector<16xi32>
      %parallel_loop3A_149 = vector.shape_cast %parallel_loop3A_145 : vector<16xi32> to vector<16xi32>
      tpu.vector_store %arg8[%parallel_loop3A_146], %parallel_loop3A_149 {strides = array<i32>} : memref<25600xi32, #tpu.memory_space<vmem>>, vector<16xi32>,
      %parallel_loop3A_150 = arith.constant 200 : i32
      %parallel_loop3A_151 = arith.muli %parallel_loop3A_97, %parallel_loop3A_150 : i32
      %parallel_loop3A_152 = arith.constant 64 : i32
      %parallel_loop3A_153 = arith.addi %parallel_loop3A_151, %parallel_loop3A_152 : i32
      %parallel_loop3A_154 = arith.index_cast %parallel_loop3A_97 : i32 to index
      %parallel_loop3A_155 = arith.constant 64 : index
      %parallel_loop3A_156 = tpu.vector_load %arg6[%parallel_loop3A_154, %parallel_loop3A_155] {strides = array<i32>} : memref<128x128xf32, #tpu.memory_space<vmem>>, vector<1x16xf32>,
      %parallel_loop3A_157 = vector.shape_cast %parallel_loop3A_156 : vector<1x16xf32> to vector<16xf32>
      %parallel_loop3A_158 = tpu.bitcast %parallel_loop3A_157 : vector<16xf32> -> vector<16xi32>
      %parallel_loop3A_159 = arith.index_cast %parallel_loop3A_153 : i32 to index
      %parallel_loop3A_160 = tpu.vector_load %arg8[%parallel_loop3A_159] {strides = array<i32>} : memref<25600xi32, #tpu.memory_space<vmem>>, vector<16xi32>,
      %parallel_loop3A_161 = vector.shape_cast %parallel_loop3A_160 : vector<16xi32> to vector<16xi32>
      %parallel_loop3A_162 = vector.shape_cast %parallel_loop3A_158 : vector<16xi32> to vector<16xi32>
      tpu.vector_store %arg8[%parallel_loop3A_159], %parallel_loop3A_162 {strides = array<i32>} : memref<25600xi32, #tpu.memory_space<vmem>>, vector<16xi32>,
      %parallel_loop3A_163 = arith.constant 200 : i32
      %parallel_loop3A_164 = arith.muli %parallel_loop3A_97, %parallel_loop3A_163 : i32
      %parallel_loop3A_165 = arith.constant 80 : i32
      %parallel_loop3A_166 = arith.addi %parallel_loop3A_164, %parallel_loop3A_165 : i32
      %parallel_loop3A_167 = arith.index_cast %parallel_loop3A_97 : i32 to index
      %parallel_loop3A_168 = arith.constant 80 : index
      %parallel_loop3A_169 = tpu.vector_load %arg6[%parallel_loop3A_167, %parallel_loop3A_168] {strides = array<i32>} : memref<128x128xf32, #tpu.memory_space<vmem>>, vector<1x16xf32>,
      %parallel_loop3A_170 = vector.shape_cast %parallel_loop3A_169 : vector<1x16xf32> to vector<16xf32>
      %parallel_loop3A_171 = tpu.bitcast %parallel_loop3A_170 : vector<16xf32> -> vector<16xi32>
      %parallel_loop3A_172 = arith.index_cast %parallel_loop3A_166 : i32 to index
      %parallel_loop3A_173 = tpu.vector_load %arg8[%parallel_loop3A_172] {strides = array<i32>} : memref<25600xi32, #tpu.memory_space<vmem>>, vector<16xi32>,
      %parallel_loop3A_174 = vector.shape_cast %parallel_loop3A_173 : vector<16xi32> to vector<16xi32>
      %parallel_loop3A_175 = vector.shape_cast %parallel_loop3A_171 : vector<16xi32> to vector<16xi32>
      tpu.vector_store %arg8[%parallel_loop3A_172], %parallel_loop3A_175 {strides = array<i32>} : memref<25600xi32, #tpu.memory_space<vmem>>, vector<16xi32>,
      %parallel_loop3A_176 = arith.constant 200 : i32
      %parallel_loop3A_177 = arith.muli %parallel_loop3A_97, %parallel_loop3A_176 : i32
      %parallel_loop3A_178 = arith.constant 96 : i32
      %parallel_loop3A_179 = arith.addi %parallel_loop3A_177, %parallel_loop3A_178 : i32
      %parallel_loop3A_180 = arith.index_cast %parallel_loop3A_97 : i32 to index
      %parallel_loop3A_181 = arith.constant 96 : index
      %parallel_loop3A_182 = tpu.vector_load %arg6[%parallel_loop3A_180, %parallel_loop3A_181] {strides = array<i32>} : memref<128x128xf32, #tpu.memory_space<vmem>>, vector<1x16xf32>,
      %parallel_loop3A_183 = vector.shape_cast %parallel_loop3A_182 : vector<1x16xf32> to vector<16xf32>
      %parallel_loop3A_184 = tpu.bitcast %parallel_loop3A_183 : vector<16xf32> -> vector<16xi32>
      %parallel_loop3A_185 = arith.index_cast %parallel_loop3A_179 : i32 to index
      %parallel_loop3A_186 = tpu.vector_load %arg8[%parallel_loop3A_185] {strides = array<i32>} : memref<25600xi32, #tpu.memory_space<vmem>>, vector<16xi32>,
      %parallel_loop3A_187 = vector.shape_cast %parallel_loop3A_186 : vector<16xi32> to vector<16xi32>
      %parallel_loop3A_188 = vector.shape_cast %parallel_loop3A_184 : vector<16xi32> to vector<16xi32>
      tpu.vector_store %arg8[%parallel_loop3A_185], %parallel_loop3A_188 {strides = array<i32>} : memref<25600xi32, #tpu.memory_space<vmem>>, vector<16xi32>,
      %parallel_loop3A_189 = arith.constant 200 : i32
      %parallel_loop3A_190 = arith.muli %parallel_loop3A_97, %parallel_loop3A_189 : i32
      %parallel_loop3A_191 = arith.constant 112 : i32
      %parallel_loop3A_192 = arith.addi %parallel_loop3A_190, %parallel_loop3A_191 : i32
      %parallel_loop3A_193 = arith.index_cast %parallel_loop3A_97 : i32 to index
      %parallel_loop3A_194 = arith.constant 112 : index
      %parallel_loop3A_195 = tpu.vector_load %arg6[%parallel_loop3A_193, %parallel_loop3A_194] {strides = array<i32>} : memref<128x128xf32, #tpu.memory_space<vmem>>, vector<1x16xf32>,
      %parallel_loop3A_196 = vector.shape_cast %parallel_loop3A_195 : vector<1x16xf32> to vector<16xf32>
      %parallel_loop3A_197 = tpu.bitcast %parallel_loop3A_196 : vector<16xf32> -> vector<16xi32>
      %parallel_loop3A_198 = arith.index_cast %parallel_loop3A_192 : i32 to index
      %parallel_loop3A_199 = tpu.vector_load %arg8[%parallel_loop3A_198] {strides = array<i32>} : memref<25600xi32, #tpu.memory_space<vmem>>, vector<16xi32>,
      %parallel_loop3A_200 = vector.shape_cast %parallel_loop3A_199 : vector<16xi32> to vector<16xi32>
      %parallel_loop3A_201 = vector.shape_cast %parallel_loop3A_197 : vector<16xi32> to vector<16xi32>
      tpu.vector_store %arg8[%parallel_loop3A_198], %parallel_loop3A_201 {strides = array<i32>} : memref<25600xi32, #tpu.memory_space<vmem>>, vector<16xi32>,
      %parallel_loop3A_202 = arith.constant 200 : i32
      %parallel_loop3A_203 = arith.muli %parallel_loop3A_97, %parallel_loop3A_202 : i32
      %parallel_loop3A_204 = arith.constant 128 : i32
      %parallel_loop3A_205 = arith.addi %parallel_loop3A_203, %parallel_loop3A_204 : i32
      %parallel_loop3A_206 = arith.constant 0 : i32
      %parallel_loop3A_207 = arith.addi %parallel_loop3A_205, %parallel_loop3A_206 : i32
      %parallel_loop3A_208 = arith.index_cast %parallel_loop3A_97 : i32 to index
      %parallel_loop3A_209 = arith.constant 0 : index
      %parallel_loop3A_210 = tpu.vector_load %arg7[%parallel_loop3A_208, %parallel_loop3A_209] {strides = array<i32>} : memref<128x72xf32, #tpu.memory_space<vmem>>, vector<1x16xf32>,
      %parallel_loop3A_211 = vector.shape_cast %parallel_loop3A_210 : vector<1x16xf32> to vector<16xf32>
      %parallel_loop3A_212 = tpu.bitcast %parallel_loop3A_211 : vector<16xf32> -> vector<16xi32>
      %parallel_loop3A_213 = arith.index_cast %parallel_loop3A_207 : i32 to index
      %parallel_loop3A_214 = tpu.vector_load %arg8[%parallel_loop3A_213] {strides = array<i32>} : memref<25600xi32, #tpu.memory_space<vmem>>, vector<16xi32>,
      %parallel_loop3A_215 = vector.shape_cast %parallel_loop3A_214 : vector<16xi32> to vector<16xi32>
      %parallel_loop3A_216 = vector.shape_cast %parallel_loop3A_212 : vector<16xi32> to vector<16xi32>
      tpu.vector_store %arg8[%parallel_loop3A_213], %parallel_loop3A_216 {strides = array<i32>} : memref<25600xi32, #tpu.memory_space<vmem>>, vector<16xi32>,
      %parallel_loop3A_217 = arith.constant 200 : i32
      %parallel_loop3A_218 = arith.muli %parallel_loop3A_97, %parallel_loop3A_217 : i32
      %parallel_loop3A_219 = arith.constant 128 : i32
      %parallel_loop3A_220 = arith.addi %parallel_loop3A_218, %parallel_loop3A_219 : i32
      %parallel_loop3A_221 = arith.constant 16 : i32
      %parallel_loop3A_222 = arith.addi %parallel_loop3A_220, %parallel_loop3A_221 : i32
      %parallel_loop3A_223 = arith.index_cast %parallel_loop3A_97 : i32 to index
      %parallel_loop3A_224 = arith.constant 16 : index
      %parallel_loop3A_225 = tpu.vector_load %arg7[%parallel_loop3A_223, %parallel_loop3A_224] {strides = array<i32>} : memref<128x72xf32, #tpu.memory_space<vmem>>, vector<1x16xf32>,
      %parallel_loop3A_226 = vector.shape_cast %parallel_loop3A_225 : vector<1x16xf32> to vector<16xf32>
      %parallel_loop3A_227 = tpu.bitcast %parallel_loop3A_226 : vector<16xf32> -> vector<16xi32>
      %parallel_loop3A_228 = arith.index_cast %parallel_loop3A_222 : i32 to index
      %parallel_loop3A_229 = tpu.vector_load %arg8[%parallel_loop3A_228] {strides = array<i32>} : memref<25600xi32, #tpu.memory_space<vmem>>, vector<16xi32>,
      %parallel_loop3A_230 = vector.shape_cast %parallel_loop3A_229 : vector<16xi32> to vector<16xi32>
      %parallel_loop3A_231 = vector.shape_cast %parallel_loop3A_227 : vector<16xi32> to vector<16xi32>
      tpu.vector_store %arg8[%parallel_loop3A_228], %parallel_loop3A_231 {strides = array<i32>} : memref<25600xi32, #tpu.memory_space<vmem>>, vector<16xi32>,
      %parallel_loop3A_232 = arith.constant 200 : i32
      %parallel_loop3A_233 = arith.muli %parallel_loop3A_97, %parallel_loop3A_232 : i32
      %parallel_loop3A_234 = arith.constant 128 : i32
      %parallel_loop3A_235 = arith.addi %parallel_loop3A_233, %parallel_loop3A_234 : i32
      %parallel_loop3A_236 = arith.constant 32 : i32
      %parallel_loop3A_237 = arith.addi %parallel_loop3A_235, %parallel_loop3A_236 : i32
      %parallel_loop3A_238 = arith.index_cast %parallel_loop3A_97 : i32 to index
      %parallel_loop3A_239 = arith.constant 32 : index
      %parallel_loop3A_240 = tpu.vector_load %arg7[%parallel_loop3A_238, %parallel_loop3A_239] {strides = array<i32>} : memref<128x72xf32, #tpu.memory_space<vmem>>, vector<1x16xf32>,
      %parallel_loop3A_241 = vector.shape_cast %parallel_loop3A_240 : vector<1x16xf32> to vector<16xf32>
      %parallel_loop3A_242 = tpu.bitcast %parallel_loop3A_241 : vector<16xf32> -> vector<16xi32>
      %parallel_loop3A_243 = arith.index_cast %parallel_loop3A_237 : i32 to index
      %parallel_loop3A_244 = tpu.vector_load %arg8[%parallel_loop3A_243] {strides = array<i32>} : memref<25600xi32, #tpu.memory_space<vmem>>, vector<16xi32>,
      %parallel_loop3A_245 = vector.shape_cast %parallel_loop3A_244 : vector<16xi32> to vector<16xi32>
      %parallel_loop3A_246 = vector.shape_cast %parallel_loop3A_242 : vector<16xi32> to vector<16xi32>
      tpu.vector_store %arg8[%parallel_loop3A_243], %parallel_loop3A_246 {strides = array<i32>} : memref<25600xi32, #tpu.memory_space<vmem>>, vector<16xi32>,
      %parallel_loop3A_247 = arith.constant 200 : i32
      %parallel_loop3A_248 = arith.muli %parallel_loop3A_97, %parallel_loop3A_247 : i32
      %parallel_loop3A_249 = arith.constant 128 : i32
      %parallel_loop3A_250 = arith.addi %parallel_loop3A_248, %parallel_loop3A_249 : i32
      %parallel_loop3A_251 = arith.constant 48 : i32
      %parallel_loop3A_252 = arith.addi %parallel_loop3A_250, %parallel_loop3A_251 : i32
      %parallel_loop3A_253 = arith.index_cast %parallel_loop3A_97 : i32 to index
      %parallel_loop3A_254 = arith.constant 48 : index
      %parallel_loop3A_255 = tpu.vector_load %arg7[%parallel_loop3A_253, %parallel_loop3A_254] {strides = array<i32>} : memref<128x72xf32, #tpu.memory_space<vmem>>, vector<1x16xf32>,
      %parallel_loop3A_256 = vector.shape_cast %parallel_loop3A_255 : vector<1x16xf32> to vector<16xf32>
      %parallel_loop3A_257 = tpu.bitcast %parallel_loop3A_256 : vector<16xf32> -> vector<16xi32>
      %parallel_loop3A_258 = arith.index_cast %parallel_loop3A_252 : i32 to index
      %parallel_loop3A_259 = tpu.vector_load %arg8[%parallel_loop3A_258] {strides = array<i32>} : memref<25600xi32, #tpu.memory_space<vmem>>, vector<16xi32>,
      %parallel_loop3A_260 = vector.shape_cast %parallel_loop3A_259 : vector<16xi32> to vector<16xi32>
      %parallel_loop3A_261 = vector.shape_cast %parallel_loop3A_257 : vector<16xi32> to vector<16xi32>
      tpu.vector_store %arg8[%parallel_loop3A_258], %parallel_loop3A_261 {strides = array<i32>} : memref<25600xi32, #tpu.memory_space<vmem>>, vector<16xi32>,
      %parallel_loop3A_262 = arith.constant 200 : i32
      %parallel_loop3A_263 = arith.muli %parallel_loop3A_97, %parallel_loop3A_262 : i32
      %parallel_loop3A_264 = arith.constant 200 : i32
      %parallel_loop3A_265 = arith.addi %parallel_loop3A_263, %parallel_loop3A_264 : i32
      %parallel_loop3A_266 = arith.constant 16 : i32
      %parallel_loop3A_267 = arith.subi %parallel_loop3A_265, %parallel_loop3A_266 : i32
      %parallel_loop3A_268 = arith.index_cast %parallel_loop3A_97 : i32 to index
      %parallel_loop3A_269 = arith.constant 56 : index
      %parallel_loop3A_270 = tpu.vector_load %arg7[%parallel_loop3A_268, %parallel_loop3A_269] {strides = array<i32>} : memref<128x72xf32, #tpu.memory_space<vmem>>, vector<1x16xf32>,
      %parallel_loop3A_271 = vector.shape_cast %parallel_loop3A_270 : vector<1x16xf32> to vector<16xf32>
      %parallel_loop3A_272 = tpu.bitcast %parallel_loop3A_271 : vector<16xf32> -> vector<16xi32>
      %parallel_loop3A_273 = arith.index_cast %parallel_loop3A_267 : i32 to index
      %parallel_loop3A_274 = tpu.vector_load %arg8[%parallel_loop3A_273] {strides = array<i32>} : memref<25600xi32, #tpu.memory_space<vmem>>, vector<16xi32>,
      %parallel_loop3A_275 = vector.shape_cast %parallel_loop3A_274 : vector<16xi32> to vector<16xi32>
      %parallel_loop3A_276 = vector.shape_cast %parallel_loop3A_272 : vector<16xi32> to vector<16xi32>
      tpu.vector_store %arg8[%parallel_loop3A_273], %parallel_loop3A_276 {strides = array<i32>} : memref<25600xi32, #tpu.memory_space<vmem>>, vector<16xi32>,
    } {sc.loop_unroll_factor = 4 : i64, sc.parallel_access}
    %dma_start3A = arith.constant 0 : i32
    %dma_start3A_5 = arith.constant 0 : i32
    %dma_start3A_6 = arith.constant 0 : i32
    %dma_start3A_7 = tpu.memref_slice %arg9[%dma_start3A, %dma_start3A_5, %dma_start3A_6] : memref<2x200x64xf32, #tpu.memory_space<vmem>> -> memref<1x200x64xf32, #tpu.memory_space<vmem>>
    %dma_start3A_8 = tpu.memref_squeeze %dma_start3A_7 : memref<1x200x64xf32, #tpu.memory_space<vmem>> -> memref<200x64xf32, #tpu.memory_space<vmem>>
    %dma_start3A_9 = arith.constant 0 : i32
    %dma_start3A_10 = tpu.memref_slice %arg8[%dma_start3A_9] : memref<25600xi32, #tpu.memory_space<vmem>> -> memref<200xi32, #tpu.memory_space<vmem>>
    %dma_start3A_11 = arith.constant 0 : i32
    %dma_start3A_12 = arith.constant 0 : i32
    %dma_start3A_13 = tpu.memref_slice %arg2[%dma_start3A_11, %dma_start3A_12] : memref<1000000x64xf32, #tpu.memory_space<hbm>> -> memref<1000000x64xf32, #tpu.memory_space<hbm>>
    tpu.enqueue_indirect_dma source(%dma_start3A_13 : memref<1000000x64xf32, #tpu.memory_space<hbm>>) target(%dma_start3A_8 : memref<200x64xf32, #tpu.memory_space<vmem>>) offsets(%dma_start3A_10 : memref<200xi32, #tpu.memory_space<vmem>>) semaphore(%arg11 : memref<!tpu.dma_semaphore, #tpu.memory_space<semaphore_mem>>)
    %dma_start3A_14 = arith.constant 1 : i32
    %dma_start3A_15 = arith.constant 0 : i32
    %dma_start3A_16 = arith.constant 0 : i32
    %dma_start3A_17 = tpu.memref_slice %arg9[%dma_start3A_14, %dma_start3A_15, %dma_start3A_16] : memref<2x200x64xf32, #tpu.memory_space<vmem>> -> memref<1x200x64xf32, #tpu.memory_space<vmem>>
    %dma_start3A_18 = tpu.memref_squeeze %dma_start3A_17 : memref<1x200x64xf32, #tpu.memory_space<vmem>> -> memref<200x64xf32, #tpu.memory_space<vmem>>
    %dma_start3A_19 = arith.constant 200 : i32
    %dma_start3A_20 = tpu.memref_slice %arg8[%dma_start3A_19] : memref<25600xi32, #tpu.memory_space<vmem>> -> memref<200xi32, #tpu.memory_space<vmem>>
    %dma_start3A_21 = arith.constant 0 : i32
    %dma_start3A_22 = arith.constant 0 : i32
    %dma_start3A_23 = tpu.memref_slice %arg2[%dma_start3A_21, %dma_start3A_22] : memref<1000000x64xf32, #tpu.memory_space<hbm>> -> memref<1000000x64xf32, #tpu.memory_space<hbm>>
    tpu.enqueue_indirect_dma source(%dma_start3A_23 : memref<1000000x64xf32, #tpu.memory_space<hbm>>) target(%dma_start3A_18 : memref<200x64xf32, #tpu.memory_space<vmem>>) offsets(%dma_start3A_20 : memref<200xi32, #tpu.memory_space<vmem>>) semaphore(%arg12 : memref<!tpu.dma_semaphore, #tpu.memory_space<semaphore_mem>>)
    %scan3A = arith.constant 0 : i32
    %scan3A_24 = arith.constant 64 : i32
    %scan3A_25 = arith.addi %scan3A, %scan3A_24 : i32
    %scan3A_26 = arith.constant 1 : i32
    scf.for %scan3A_97 = %scan3A to %scan3A_25 step %scan3A_26  : i32 {
      %mul3A_98 = arith.constant 2 : i32
      %mul3A_99 = arith.muli %scan3A_97, %mul3A_98 : i32
      %add3A_100 = arith.constant 0 : i32
      %add3A_101 = arith.addi %add3A_100, %mul3A_99 : i32
      %add3A_102 = arith.constant 0 : i32
      %add3A_103 = arith.addi %add3A_101, %add3A_102 : i32
      %ge3A = arith.constant 2 : i32
      %ge3A_104 = arith.cmpi sge, %add3A_103, %ge3A : i32
      %convert_element_type3A = arith.extui %ge3A_104 : i1 to i32
      %cond3A = arith.constant 0 : i32
      %cond3A_105 = arith.cmpi ne, %convert_element_type3A, %cond3A : i32
      scf.if %cond3A_105 {
        %mul3A_234 = arith.constant 200 : i32
        %mul3A_235 = arith.muli %mul3A_2, %mul3A_234 : i32
        %jit3A_236 = arith.constant 2 : i32
        %div3A_237 = arith.divsi %mul3A_235, %jit3A_236 : i32
        %sign3A_238 = arith.constant 0 : i32
        %sign3A_239 = arith.cmpi sgt, %mul3A_235, %sign3A_238 : i32
        %sign3A_240 = arith.extui %sign3A_239 : i1 to i32
        %sign3A_241 = arith.constant 0 : i32
        %sign3A_242 = arith.cmpi slt, %mul3A_235, %sign3A_241 : i32
        %sign3A_243 = arith.extui %sign3A_242 : i1 to i32
        %sign3A_244 = arith.subi %sign3A_240, %sign3A_243 : i32
        %sign3A_245 = arith.constant 0 : i32
        %sign3A_246 = arith.cmpi sgt, %jit3A_236, %sign3A_245 : i32
        %sign3A_247 = arith.extui %sign3A_246 : i1 to i32
        %sign3A_248 = arith.constant 0 : i32
        %sign3A_249 = arith.cmpi slt, %jit3A_236, %sign3A_248 : i32
        %sign3A_250 = arith.extui %sign3A_249 : i1 to i32
        %sign3A_251 = arith.subi %sign3A_247, %sign3A_250 : i32
        %ne3A_252 = arith.cmpi ne, %sign3A_244, %sign3A_251 : i32
        %rem3A_253 = arith.remsi %mul3A_235, %jit3A_236 : i32
        %ne3A_254 = arith.constant 0 : i32
        %ne3A_255 = arith.cmpi ne, %rem3A_253, %ne3A_254 : i32
        %and3A_256 = arith.andi %ne3A_252, %ne3A_255 : i1
        %sub3A_257 = arith.constant 1 : i32
        %sub3A_258 = arith.subi %div3A_237, %sub3A_257 : i32
        %select_n3A_259 = arith.select %and3A_256, %sub3A_258, %div3A_237 : i32
        %dma_wait3A_260 = arith.constant 0 : i32
        %dma_wait3A_261 = arith.constant 0 : i32
        %dma_wait3A_262 = arith.constant 0 : i32
        %dma_wait3A_263 = tpu.memref_slice %arg10[%dma_wait3A_260, %dma_wait3A_261, %dma_wait3A_262] : memref<2x100x128xf32, #tpu.memory_space<vmem>> -> memref<1x100x128xf32, #tpu.memory_space<vmem>>
        %dma_wait3A_264 = tpu.memref_squeeze %dma_wait3A_263 : memref<1x100x128xf32, #tpu.memory_space<vmem>> -> memref<100x128xf32, #tpu.memory_space<vmem>>
        %dma_wait3A_265 = arith.constant 0 : i32
        %dma_wait3A_266 = tpu.memref_slice %arg5[%select_n3A_259, %dma_wait3A_265] : memref<409600x128xf32, #tpu.memory_space<hbm>> -> memref<100x128xf32, #tpu.memory_space<hbm>>
        %dma_wait3A_267 = arith.constant 0 : i32
        %dma_wait3A_268 = tpu.memref_slice %arg5[%select_n3A_259, %dma_wait3A_267] : memref<409600x128xf32, #tpu.memory_space<hbm>> -> memref<100x128xf32, #tpu.memory_space<hbm>>
        %dma_wait3A_269 = arith.constant 0 : i32
        %dma_wait3A_270 = arith.constant 0 : i32
        %dma_wait3A_271 = tpu.memref_slice %arg10[%dma_wait3A_260, %dma_wait3A_269, %dma_wait3A_270] : memref<2x100x128xf32, #tpu.memory_space<vmem>> -> memref<1x100x128xf32, #tpu.memory_space<vmem>>
        %dma_wait3A_272 = tpu.memref_squeeze %dma_wait3A_271 : memref<1x100x128xf32, #tpu.memory_space<vmem>> -> memref<100x128xf32, #tpu.memory_space<vmem>>
        tpu.wait_dma2 semaphore(%arg13 : memref<!tpu.dma_semaphore, #tpu.memory_space<semaphore_mem>>) src(%dma_wait3A_272 : memref<100x128xf32, #tpu.memory_space<vmem>>) dst(%dma_wait3A_268 : memref<100x128xf32, #tpu.memory_space<hbm>>)
      } else {
      }
      %mul3A_106 = arith.constant 200 : i32
      %mul3A_107 = arith.muli %add3A_103, %mul3A_106 : i32
      %dma_wait3A_108 = arith.constant 0 : i32
      %dma_wait3A_109 = arith.constant 0 : i32
      %dma_wait3A_110 = arith.constant 0 : i32
      %dma_wait3A_111 = tpu.memref_slice %arg9[%dma_wait3A_108, %dma_wait3A_109, %dma_wait3A_110] : memref<2x200x64xf32, #tpu.memory_space<vmem>> -> memref<1x200x64xf32, #tpu.memory_space<vmem>>
      %dma_wait3A_112 = tpu.memref_squeeze %dma_wait3A_111 : memref<1x200x64xf32, #tpu.memory_space<vmem>> -> memref<200x64xf32, #tpu.memory_space<vmem>>
      %dma_wait3A_113 = tpu.memref_slice %arg8[%mul3A_107] : memref<25600xi32, #tpu.memory_space<vmem>> -> memref<200xi32, #tpu.memory_space<vmem>>
      %dma_wait3A_114 = arith.constant 0 : i32
      %dma_wait3A_115 = arith.constant 0 : i32
      %dma_wait3A_116 = tpu.memref_slice %arg2[%dma_wait3A_114, %dma_wait3A_115] : memref<1000000x64xf32, #tpu.memory_space<hbm>> -> memref<1000000x64xf32, #tpu.memory_space<hbm>>
      tpu.wait_indirect_dma semaphore(%arg11 : memref<!tpu.dma_semaphore, #tpu.memory_space<semaphore_mem>>) src(%dma_wait3A_116 : memref<1000000x64xf32, #tpu.memory_space<hbm>>) dst(%dma_wait3A_112 : memref<200x64xf32, #tpu.memory_space<vmem>>)
      %parallel_loop3A_117 = arith.constant 0 : i32
      %parallel_loop3A_118 = arith.constant 100 : i32
      %parallel_loop3A_119 = arith.constant 1 : i32
      scf.for %parallel_loop3A_234 = %parallel_loop3A_117 to %parallel_loop3A_118 step %parallel_loop3A_119  : i32 {
        %parallel_loop3A_235 = arith.constant 2 : i32
        %parallel_loop3A_236 = arith.muli %parallel_loop3A_235, %parallel_loop3A_234 : i32
        %parallel_loop3A_237 = arith.constant 0 : i32
        %parallel_loop3A_238 = arith.addi %parallel_loop3A_236, %parallel_loop3A_237 : i32
        %parallel_loop3A_239 = arith.constant 0 : i32
        %parallel_loop3A_240 = arith.index_cast %parallel_loop3A_239 : i32 to index
        %parallel_loop3A_241 = arith.index_cast %parallel_loop3A_238 : i32 to index
        %parallel_loop3A_242 = arith.constant 0 : index
        %parallel_loop3A_243 = tpu.vector_load %arg9[%parallel_loop3A_240, %parallel_loop3A_241, %parallel_loop3A_242] {strides = array<i32>} : memref<2x200x64xf32, #tpu.memory_space<vmem>>, vector<1x1x16xf32>,
        %parallel_loop3A_244 = vector.shape_cast %parallel_loop3A_243 : vector<1x1x16xf32> to vector<16xf32>
        %parallel_loop3A_245 = arith.constant 8.000000e+00 : f32
        %parallel_loop3A_246 = vector.broadcast %parallel_loop3A_245 : f32 to vector<16xf32>
        %parallel_loop3A_247 = arith.mulf %parallel_loop3A_244, %parallel_loop3A_246 : vector<16xf32>
        %parallel_loop3A_248 = arith.constant 0 : i32
        %parallel_loop3A_249 = arith.index_cast %parallel_loop3A_248 : i32 to index
        %parallel_loop3A_250 = arith.index_cast %parallel_loop3A_234 : i32 to index
        %parallel_loop3A_251 = arith.constant 0 : index
        %parallel_loop3A_252 = tpu.vector_load %arg10[%parallel_loop3A_249, %parallel_loop3A_250, %parallel_loop3A_251] {strides = array<i32>} : memref<2x100x128xf32, #tpu.memory_space<vmem>>, vector<1x1x16xf32>,
        %parallel_loop3A_253 = vector.shape_cast %parallel_loop3A_252 : vector<1x1x16xf32> to vector<16xf32>
        %parallel_loop3A_254 = vector.shape_cast %parallel_loop3A_247 : vector<16xf32> to vector<1x1x16xf32>
        tpu.vector_store %arg10[%parallel_loop3A_249, %parallel_loop3A_250, %parallel_loop3A_251], %parallel_loop3A_254 {strides = array<i32>} : memref<2x100x128xf32, #tpu.memory_space<vmem>>, vector<1x1x16xf32>,
        %parallel_loop3A_255 = arith.constant 2 : i32
        %parallel_loop3A_256 = arith.muli %parallel_loop3A_255, %parallel_loop3A_234 : i32
        %parallel_loop3A_257 = arith.constant 0 : i32
        %parallel_loop3A_258 = arith.addi %parallel_loop3A_256, %parallel_loop3A_257 : i32
        %parallel_loop3A_259 = arith.constant 0 : i32
        %parallel_loop3A_260 = arith.index_cast %parallel_loop3A_259 : i32 to index
        %parallel_loop3A_261 = arith.index_cast %parallel_loop3A_258 : i32 to index
        %parallel_loop3A_262 = arith.constant 16 : index
        %parallel_loop3A_263 = tpu.vector_load %arg9[%parallel_loop3A_260, %parallel_loop3A_261, %parallel_loop3A_262] {strides = array<i32>} : memref<2x200x64xf32, #tpu.memory_space<vmem>>, vector<1x1x16xf32>,
        %parallel_loop3A_264 = vector.shape_cast %parallel_loop3A_263 : vector<1x1x16xf32> to vector<16xf32>
        %parallel_loop3A_265 = arith.constant 8.000000e+00 : f32
        %parallel_loop3A_266 = vector.broadcast %parallel_loop3A_265 : f32 to vector<16xf32>
        %parallel_loop3A_267 = arith.mulf %parallel_loop3A_264, %parallel_loop3A_266 : vector<16xf32>
        %parallel_loop3A_268 = arith.constant 0 : i32
        %parallel_loop3A_269 = arith.index_cast %parallel_loop3A_268 : i32 to index
        %parallel_loop3A_270 = arith.index_cast %parallel_loop3A_234 : i32 to index
        %parallel_loop3A_271 = arith.constant 16 : index
        %parallel_loop3A_272 = tpu.vector_load %arg10[%parallel_loop3A_269, %parallel_loop3A_270, %parallel_loop3A_271] {strides = array<i32>} : memref<2x100x128xf32, #tpu.memory_space<vmem>>, vector<1x1x16xf32>,
        %parallel_loop3A_273 = vector.shape_cast %parallel_loop3A_272 : vector<1x1x16xf32> to vector<16xf32>
        %parallel_loop3A_274 = vector.shape_cast %parallel_loop3A_267 : vector<16xf32> to vector<1x1x16xf32>
        tpu.vector_store %arg10[%parallel_loop3A_269, %parallel_loop3A_270, %parallel_loop3A_271], %parallel_loop3A_274 {strides = array<i32>} : memref<2x100x128xf32, #tpu.memory_space<vmem>>, vector<1x1x16xf32>,
        %parallel_loop3A_275 = arith.constant 2 : i32
        %parallel_loop3A_276 = arith.muli %parallel_loop3A_275, %parallel_loop3A_234 : i32
        %parallel_loop3A_277 = arith.constant 0 : i32
        %parallel_loop3A_278 = arith.addi %parallel_loop3A_276, %parallel_loop3A_277 : i32
        %parallel_loop3A_279 = arith.constant 0 : i32
        %parallel_loop3A_280 = arith.index_cast %parallel_loop3A_279 : i32 to index
        %parallel_loop3A_281 = arith.index_cast %parallel_loop3A_278 : i32 to index
        %parallel_loop3A_282 = arith.constant 32 : index
        %parallel_loop3A_283 = tpu.vector_load %arg9[%parallel_loop3A_280, %parallel_loop3A_281, %parallel_loop3A_282] {strides = array<i32>} : memref<2x200x64xf32, #tpu.memory_space<vmem>>, vector<1x1x16xf32>,
        %parallel_loop3A_284 = vector.shape_cast %parallel_loop3A_283 : vector<1x1x16xf32> to vector<16xf32>
        %parallel_loop3A_285 = arith.constant 8.000000e+00 : f32
        %parallel_loop3A_286 = vector.broadcast %parallel_loop3A_285 : f32 to vector<16xf32>
        %parallel_loop3A_287 = arith.mulf %parallel_loop3A_284, %parallel_loop3A_286 : vector<16xf32>
        %parallel_loop3A_288 = arith.constant 0 : i32
        %parallel_loop3A_289 = arith.index_cast %parallel_loop3A_288 : i32 to index
        %parallel_loop3A_290 = arith.index_cast %parallel_loop3A_234 : i32 to index
        %parallel_loop3A_291 = arith.constant 32 : index
        %parallel_loop3A_292 = tpu.vector_load %arg10[%parallel_loop3A_289, %parallel_loop3A_290, %parallel_loop3A_291] {strides = array<i32>} : memref<2x100x128xf32, #tpu.memory_space<vmem>>, vector<1x1x16xf32>,
        %parallel_loop3A_293 = vector.shape_cast %parallel_loop3A_292 : vector<1x1x16xf32> to vector<16xf32>
        %parallel_loop3A_294 = vector.shape_cast %parallel_loop3A_287 : vector<16xf32> to vector<1x1x16xf32>
        tpu.vector_store %arg10[%parallel_loop3A_289, %parallel_loop3A_290, %parallel_loop3A_291], %parallel_loop3A_294 {strides = array<i32>} : memref<2x100x128xf32, #tpu.memory_space<vmem>>, vector<1x1x16xf32>,
        %parallel_loop3A_295 = arith.constant 2 : i32
        %parallel_loop3A_296 = arith.muli %parallel_loop3A_295, %parallel_loop3A_234 : i32
        %parallel_loop3A_297 = arith.constant 0 : i32
        %parallel_loop3A_298 = arith.addi %parallel_loop3A_296, %parallel_loop3A_297 : i32
        %parallel_loop3A_299 = arith.constant 0 : i32
        %parallel_loop3A_300 = arith.index_cast %parallel_loop3A_299 : i32 to index
        %parallel_loop3A_301 = arith.index_cast %parallel_loop3A_298 : i32 to index
        %parallel_loop3A_302 = arith.constant 48 : index
        %parallel_loop3A_303 = tpu.vector_load %arg9[%parallel_loop3A_300, %parallel_loop3A_301, %parallel_loop3A_302] {strides = array<i32>} : memref<2x200x64xf32, #tpu.memory_space<vmem>>, vector<1x1x16xf32>,
        %parallel_loop3A_304 = vector.shape_cast %parallel_loop3A_303 : vector<1x1x16xf32> to vector<16xf32>
        %parallel_loop3A_305 = arith.constant 8.000000e+00 : f32
        %parallel_loop3A_306 = vector.broadcast %parallel_loop3A_305 : f32 to vector<16xf32>
        %parallel_loop3A_307 = arith.mulf %parallel_loop3A_304, %parallel_loop3A_306 : vector<16xf32>
        %parallel_loop3A_308 = arith.constant 0 : i32
        %parallel_loop3A_309 = arith.index_cast %parallel_loop3A_308 : i32 to index
        %parallel_loop3A_310 = arith.index_cast %parallel_loop3A_234 : i32 to index
        %parallel_loop3A_311 = arith.constant 48 : index
        %parallel_loop3A_312 = tpu.vector_load %arg10[%parallel_loop3A_309, %parallel_loop3A_310, %parallel_loop3A_311] {strides = array<i32>} : memref<2x100x128xf32, #tpu.memory_space<vmem>>, vector<1x1x16xf32>,
        %parallel_loop3A_313 = vector.shape_cast %parallel_loop3A_312 : vector<1x1x16xf32> to vector<16xf32>
        %parallel_loop3A_314 = vector.shape_cast %parallel_loop3A_307 : vector<16xf32> to vector<1x1x16xf32>
        tpu.vector_store %arg10[%parallel_loop3A_309, %parallel_loop3A_310, %parallel_loop3A_311], %parallel_loop3A_314 {strides = array<i32>} : memref<2x100x128xf32, #tpu.memory_space<vmem>>, vector<1x1x16xf32>,
        %parallel_loop3A_315 = arith.constant 2 : i32
        %parallel_loop3A_316 = arith.muli %parallel_loop3A_315, %parallel_loop3A_234 : i32
        %parallel_loop3A_317 = arith.constant 1 : i32
        %parallel_loop3A_318 = arith.addi %parallel_loop3A_316, %parallel_loop3A_317 : i32
        %parallel_loop3A_319 = arith.constant 0 : i32
        %parallel_loop3A_320 = arith.index_cast %parallel_loop3A_319 : i32 to index
        %parallel_loop3A_321 = arith.index_cast %parallel_loop3A_318 : i32 to index
        %parallel_loop3A_322 = arith.constant 0 : index
        %parallel_loop3A_323 = tpu.vector_load %arg9[%parallel_loop3A_320, %parallel_loop3A_321, %parallel_loop3A_322] {strides = array<i32>} : memref<2x200x64xf32, #tpu.memory_space<vmem>>, vector<1x1x16xf32>,
        %parallel_loop3A_324 = vector.shape_cast %parallel_loop3A_323 : vector<1x1x16xf32> to vector<16xf32>
        %parallel_loop3A_325 = arith.constant 8.000000e+00 : f32
        %parallel_loop3A_326 = vector.broadcast %parallel_loop3A_325 : f32 to vector<16xf32>
        %parallel_loop3A_327 = arith.mulf %parallel_loop3A_324, %parallel_loop3A_326 : vector<16xf32>
        %parallel_loop3A_328 = arith.constant 0 : i32
        %parallel_loop3A_329 = arith.index_cast %parallel_loop3A_328 : i32 to index
        %parallel_loop3A_330 = arith.index_cast %parallel_loop3A_234 : i32 to index
        %parallel_loop3A_331 = arith.constant 64 : index
        %parallel_loop3A_332 = tpu.vector_load %arg10[%parallel_loop3A_329, %parallel_loop3A_330, %parallel_loop3A_331] {strides = array<i32>} : memref<2x100x128xf32, #tpu.memory_space<vmem>>, vector<1x1x16xf32>,
        %parallel_loop3A_333 = vector.shape_cast %parallel_loop3A_332 : vector<1x1x16xf32> to vector<16xf32>
        %parallel_loop3A_334 = vector.shape_cast %parallel_loop3A_327 : vector<16xf32> to vector<1x1x16xf32>
        tpu.vector_store %arg10[%parallel_loop3A_329, %parallel_loop3A_330, %parallel_loop3A_331], %parallel_loop3A_334 {strides = array<i32>} : memref<2x100x128xf32, #tpu.memory_space<vmem>>, vector<1x1x16xf32>,
        %parallel_loop3A_335 = arith.constant 2 : i32
        %parallel_loop3A_336 = arith.muli %parallel_loop3A_335, %parallel_loop3A_234 : i32
        %parallel_loop3A_337 = arith.constant 1 : i32
        %parallel_loop3A_338 = arith.addi %parallel_loop3A_336, %parallel_loop3A_337 : i32
        %parallel_loop3A_339 = arith.constant 0 : i32
        %parallel_loop3A_340 = arith.index_cast %parallel_loop3A_339 : i32 to index
        %parallel_loop3A_341 = arith.index_cast %parallel_loop3A_338 : i32 to index
        %parallel_loop3A_342 = arith.constant 16 : index
        %parallel_loop3A_343 = tpu.vector_load %arg9[%parallel_loop3A_340, %parallel_loop3A_341, %parallel_loop3A_342] {strides = array<i32>} : memref<2x200x64xf32, #tpu.memory_space<vmem>>, vector<1x1x16xf32>,
        %parallel_loop3A_344 = vector.shape_cast %parallel_loop3A_343 : vector<1x1x16xf32> to vector<16xf32>
        %parallel_loop3A_345 = arith.constant 8.000000e+00 : f32
        %parallel_loop3A_346 = vector.broadcast %parallel_loop3A_345 : f32 to vector<16xf32>
        %parallel_loop3A_347 = arith.mulf %parallel_loop3A_344, %parallel_loop3A_346 : vector<16xf32>
        %parallel_loop3A_348 = arith.constant 0 : i32
        %parallel_loop3A_349 = arith.index_cast %parallel_loop3A_348 : i32 to index
        %parallel_loop3A_350 = arith.index_cast %parallel_loop3A_234 : i32 to index
        %parallel_loop3A_351 = arith.constant 80 : index
        %parallel_loop3A_352 = tpu.vector_load %arg10[%parallel_loop3A_349, %parallel_loop3A_350, %parallel_loop3A_351] {strides = array<i32>} : memref<2x100x128xf32, #tpu.memory_space<vmem>>, vector<1x1x16xf32>,
        %parallel_loop3A_353 = vector.shape_cast %parallel_loop3A_352 : vector<1x1x16xf32> to vector<16xf32>
        %parallel_loop3A_354 = vector.shape_cast %parallel_loop3A_347 : vector<16xf32> to vector<1x1x16xf32>
        tpu.vector_store %arg10[%parallel_loop3A_349, %parallel_loop3A_350, %parallel_loop3A_351], %parallel_loop3A_354 {strides = array<i32>} : memref<2x100x128xf32, #tpu.memory_space<vmem>>, vector<1x1x16xf32>,
        %parallel_loop3A_355 = arith.constant 2 : i32
        %parallel_loop3A_356 = arith.muli %parallel_loop3A_355, %parallel_loop3A_234 : i32
        %parallel_loop3A_357 = arith.constant 1 : i32
        %parallel_loop3A_358 = arith.addi %parallel_loop3A_356, %parallel_loop3A_357 : i32
        %parallel_loop3A_359 = arith.constant 0 : i32
        %parallel_loop3A_360 = arith.index_cast %parallel_loop3A_359 : i32 to index
        %parallel_loop3A_361 = arith.index_cast %parallel_loop3A_358 : i32 to index
        %parallel_loop3A_362 = arith.constant 32 : index
        %parallel_loop3A_363 = tpu.vector_load %arg9[%parallel_loop3A_360, %parallel_loop3A_361, %parallel_loop3A_362] {strides = array<i32>} : memref<2x200x64xf32, #tpu.memory_space<vmem>>, vector<1x1x16xf32>,
        %parallel_loop3A_364 = vector.shape_cast %parallel_loop3A_363 : vector<1x1x16xf32> to vector<16xf32>
        %parallel_loop3A_365 = arith.constant 8.000000e+00 : f32
        %parallel_loop3A_366 = vector.broadcast %parallel_loop3A_365 : f32 to vector<16xf32>
        %parallel_loop3A_367 = arith.mulf %parallel_loop3A_364, %parallel_loop3A_366 : vector<16xf32>
        %parallel_loop3A_368 = arith.constant 0 : i32
        %parallel_loop3A_369 = arith.index_cast %parallel_loop3A_368 : i32 to index
        %parallel_loop3A_370 = arith.index_cast %parallel_loop3A_234 : i32 to index
        %parallel_loop3A_371 = arith.constant 96 : index
        %parallel_loop3A_372 = tpu.vector_load %arg10[%parallel_loop3A_369, %parallel_loop3A_370, %parallel_loop3A_371] {strides = array<i32>} : memref<2x100x128xf32, #tpu.memory_space<vmem>>, vector<1x1x16xf32>,
        %parallel_loop3A_373 = vector.shape_cast %parallel_loop3A_372 : vector<1x1x16xf32> to vector<16xf32>
        %parallel_loop3A_374 = vector.shape_cast %parallel_loop3A_367 : vector<16xf32> to vector<1x1x16xf32>
        tpu.vector_store %arg10[%parallel_loop3A_369, %parallel_loop3A_370, %parallel_loop3A_371], %parallel_loop3A_374 {strides = array<i32>} : memref<2x100x128xf32, #tpu.memory_space<vmem>>, vector<1x1x16xf32>,
        %parallel_loop3A_375 = arith.constant 2 : i32
        %parallel_loop3A_376 = arith.muli %parallel_loop3A_375, %parallel_loop3A_234 : i32
        %parallel_loop3A_377 = arith.constant 1 : i32
        %parallel_loop3A_378 = arith.addi %parallel_loop3A_376, %parallel_loop3A_377 : i32
        %parallel_loop3A_379 = arith.constant 0 : i32
        %parallel_loop3A_380 = arith.index_cast %parallel_loop3A_379 : i32 to index
        %parallel_loop3A_381 = arith.index_cast %parallel_loop3A_378 : i32 to index
        %parallel_loop3A_382 = arith.constant 48 : index
        %parallel_loop3A_383 = tpu.vector_load %arg9[%parallel_loop3A_380, %parallel_loop3A_381, %parallel_loop3A_382] {strides = array<i32>} : memref<2x200x64xf32, #tpu.memory_space<vmem>>, vector<1x1x16xf32>,
        %parallel_loop3A_384 = vector.shape_cast %parallel_loop3A_383 : vector<1x1x16xf32> to vector<16xf32>
        %parallel_loop3A_385 = arith.constant 8.000000e+00 : f32
        %parallel_loop3A_386 = vector.broadcast %parallel_loop3A_385 : f32 to vector<16xf32>
        %parallel_loop3A_387 = arith.mulf %parallel_loop3A_384, %parallel_loop3A_386 : vector<16xf32>
        %parallel_loop3A_388 = arith.constant 0 : i32
        %parallel_loop3A_389 = arith.index_cast %parallel_loop3A_388 : i32 to index
        %parallel_loop3A_390 = arith.index_cast %parallel_loop3A_234 : i32 to index
        %parallel_loop3A_391 = arith.constant 112 : index
        %parallel_loop3A_392 = tpu.vector_load %arg10[%parallel_loop3A_389, %parallel_loop3A_390, %parallel_loop3A_391] {strides = array<i32>} : memref<2x100x128xf32, #tpu.memory_space<vmem>>, vector<1x1x16xf32>,
        %parallel_loop3A_393 = vector.shape_cast %parallel_loop3A_392 : vector<1x1x16xf32> to vector<16xf32>
        %parallel_loop3A_394 = vector.shape_cast %parallel_loop3A_387 : vector<16xf32> to vector<1x1x16xf32>
        tpu.vector_store %arg10[%parallel_loop3A_389, %parallel_loop3A_390, %parallel_loop3A_391], %parallel_loop3A_394 {strides = array<i32>} : memref<2x100x128xf32, #tpu.memory_space<vmem>>, vector<1x1x16xf32>,
      } {sc.loop_unroll_factor = 4 : i64, sc.parallel_access}
      %add3A_120 = arith.addi %mul3A_2, %add3A_103 : i32
      %mul3A_121 = arith.constant 200 : i32
      %mul3A_122 = arith.muli %add3A_120, %mul3A_121 : i32
      %jit3A_123 = arith.constant 2 : i32
      %div3A_124 = arith.divsi %mul3A_122, %jit3A_123 : i32
      %sign3A_125 = arith.constant 0 : i32
      %sign3A_126 = arith.cmpi sgt, %mul3A_122, %sign3A_125 : i32
      %sign3A_127 = arith.extui %sign3A_126 : i1 to i32
      %sign3A_128 = arith.constant 0 : i32
      %sign3A_129 = arith.cmpi slt, %mul3A_122, %sign3A_128 : i32
      %sign3A_130 = arith.extui %sign3A_129 : i1 to i32
      %sign3A_131 = arith.subi %sign3A_127, %sign3A_130 : i32
      %sign3A_132 = arith.constant 0 : i32
      %sign3A_133 = arith.cmpi sgt, %jit3A_123, %sign3A_132 : i32
      %sign3A_134 = arith.extui %sign3A_133 : i1 to i32
      %sign3A_135 = arith.constant 0 : i32
      %sign3A_136 = arith.cmpi slt, %jit3A_123, %sign3A_135 : i32
      %sign3A_137 = arith.extui %sign3A_136 : i1 to i32
      %sign3A_138 = arith.subi %sign3A_134, %sign3A_137 : i32
      %ne3A_139 = arith.cmpi ne, %sign3A_131, %sign3A_138 : i32
      %rem3A_140 = arith.remsi %mul3A_122, %jit3A_123 : i32
      %ne3A_141 = arith.constant 0 : i32
      %ne3A_142 = arith.cmpi ne, %rem3A_140, %ne3A_141 : i32
      %and3A_143 = arith.andi %ne3A_139, %ne3A_142 : i1
      %sub3A_144 = arith.constant 1 : i32
      %sub3A_145 = arith.subi %div3A_124, %sub3A_144 : i32
      %select_n3A_146 = arith.select %and3A_143, %sub3A_145, %div3A_124 : i32
      %dma_start3A_147 = arith.constant 0 : i32
      %dma_start3A_148 = arith.constant 0 : i32
      %dma_start3A_149 = arith.constant 0 : i32
      %dma_start3A_150 = tpu.memref_slice %arg10[%dma_start3A_147, %dma_start3A_148, %dma_start3A_149] : memref<2x100x128xf32, #tpu.memory_space<vmem>> -> memref<1x100x128xf32, #tpu.memory_space<vmem>>
      %dma_start3A_151 = tpu.memref_squeeze %dma_start3A_150 : memref<1x100x128xf32, #tpu.memory_space<vmem>> -> memref<100x128xf32, #tpu.memory_space<vmem>>
      %dma_start3A_152 = arith.constant 0 : i32
      %dma_start3A_153 = tpu.memref_slice %arg5[%select_n3A_146, %dma_start3A_152] : memref<409600x128xf32, #tpu.memory_space<hbm>> -> memref<100x128xf32, #tpu.memory_space<hbm>>
      %dma_start3A_154 = arith.constant 0 : i32
      %dma_start3A_155 = tpu.memref_slice %arg5[%select_n3A_146, %dma_start3A_154] : memref<409600x128xf32, #tpu.memory_space<hbm>> -> memref<100x128xf32, #tpu.memory_space<hbm>>
      %dma_start3A_156 = arith.constant 0 : i32
      %dma_start3A_157 = arith.constant 0 : i32
      %dma_start3A_158 = tpu.memref_slice %arg10[%dma_start3A_147, %dma_start3A_156, %dma_start3A_157] : memref<2x100x128xf32, #tpu.memory_space<vmem>> -> memref<1x100x128xf32, #tpu.memory_space<vmem>>
      %dma_start3A_159 = tpu.memref_squeeze %dma_start3A_158 : memref<1x100x128xf32, #tpu.memory_space<vmem>> -> memref<100x128xf32, #tpu.memory_space<vmem>>
      tpu.enqueue_dma source(%dma_start3A_159 : memref<100x128xf32, #tpu.memory_space<vmem>>) target(%dma_start3A_155 : memref<100x128xf32, #tpu.memory_space<hbm>>) target_semaphore(%arg13 : memref<!tpu.dma_semaphore, #tpu.memory_space<semaphore_mem>>)
      %add3A_160 = arith.constant 2 : i32
      %add3A_161 = arith.addi %add3A_103, %add3A_160 : i32
      %lt3A = arith.constant 128 : i32
      %lt3A_162 = arith.cmpi slt, %add3A_161, %lt3A : i32
      %convert_element_type3A_163 = arith.extui %lt3A_162 : i1 to i32
      %cond3A_164 = arith.constant 0 : i32
      %cond3A_165 = arith.cmpi ne, %convert_element_type3A_163, %cond3A_164 : i32
      scf.if %cond3A_165 {
        %add3A_234 = arith.constant 2 : i32
        %add3A_235 = arith.addi %add3A_103, %add3A_234 : i32
        %mul3A_236 = arith.constant 200 : i32
        %mul3A_237 = arith.muli %add3A_235, %mul3A_236 : i32
        %dma_start3A_238 = arith.constant 0 : i32
        %dma_start3A_239 = arith.constant 0 : i32
        %dma_start3A_240 = arith.constant 0 : i32
        %dma_start3A_241 = tpu.memref_slice %arg9[%dma_start3A_238, %dma_start3A_239, %dma_start3A_240] : memref<2x200x64xf32, #tpu.memory_space<vmem>> -> memref<1x200x64xf32, #tpu.memory_space<vmem>>
        %dma_start3A_242 = tpu.memref_squeeze %dma_start3A_241 : memref<1x200x64xf32, #tpu.memory_space<vmem>> -> memref<200x64xf32, #tpu.memory_space<vmem>>
        %dma_start3A_243 = tpu.memref_slice %arg8[%mul3A_237] : memref<25600xi32, #tpu.memory_space<vmem>> -> memref<200xi32, #tpu.memory_space<vmem>>
        %dma_start3A_244 = arith.constant 0 : i32
        %dma_start3A_245 = arith.constant 0 : i32
        %dma_start3A_246 = tpu.memref_slice %arg2[%dma_start3A_244, %dma_start3A_245] : memref<1000000x64xf32, #tpu.memory_space<hbm>> -> memref<1000000x64xf32, #tpu.memory_space<hbm>>
        tpu.enqueue_indirect_dma source(%dma_start3A_246 : memref<1000000x64xf32, #tpu.memory_space<hbm>>) target(%dma_start3A_242 : memref<200x64xf32, #tpu.memory_space<vmem>>) offsets(%dma_start3A_243 : memref<200xi32, #tpu.memory_space<vmem>>) semaphore(%arg11 : memref<!tpu.dma_semaphore, #tpu.memory_space<semaphore_mem>>)
      } else {
      }
      %add3A_166 = arith.constant 1 : i32
      %add3A_167 = arith.addi %add3A_101, %add3A_166 : i32
      %ge3A_168 = arith.constant 2 : i32
      %ge3A_169 = arith.cmpi sge, %add3A_167, %ge3A_168 : i32
      %convert_element_type3A_170 = arith.extui %ge3A_169 : i1 to i32
      %cond3A_171 = arith.constant 0 : i32
      %cond3A_172 = arith.cmpi ne, %convert_element_type3A_170, %cond3A_171 : i32
      scf.if %cond3A_172 {
        %mul3A_234 = arith.constant 200 : i32
        %mul3A_235 = arith.muli %mul3A_2, %mul3A_234 : i32
        %jit3A_236 = arith.constant 2 : i32
        %div3A_237 = arith.divsi %mul3A_235, %jit3A_236 : i32
        %sign3A_238 = arith.constant 0 : i32
        %sign3A_239 = arith.cmpi sgt, %mul3A_235, %sign3A_238 : i32
        %sign3A_240 = arith.extui %sign3A_239 : i1 to i32
        %sign3A_241 = arith.constant 0 : i32
        %sign3A_242 = arith.cmpi slt, %mul3A_235, %sign3A_241 : i32
        %sign3A_243 = arith.extui %sign3A_242 : i1 to i32
        %sign3A_244 = arith.subi %sign3A_240, %sign3A_243 : i32
        %sign3A_245 = arith.constant 0 : i32
        %sign3A_246 = arith.cmpi sgt, %jit3A_236, %sign3A_245 : i32
        %sign3A_247 = arith.extui %sign3A_246 : i1 to i32
        %sign3A_248 = arith.constant 0 : i32
        %sign3A_249 = arith.cmpi slt, %jit3A_236, %sign3A_248 : i32
        %sign3A_250 = arith.extui %sign3A_249 : i1 to i32
        %sign3A_251 = arith.subi %sign3A_247, %sign3A_250 : i32
        %ne3A_252 = arith.cmpi ne, %sign3A_244, %sign3A_251 : i32
        %rem3A_253 = arith.remsi %mul3A_235, %jit3A_236 : i32
        %ne3A_254 = arith.constant 0 : i32
        %ne3A_255 = arith.cmpi ne, %rem3A_253, %ne3A_254 : i32
        %and3A_256 = arith.andi %ne3A_252, %ne3A_255 : i1
        %sub3A_257 = arith.constant 1 : i32
        %sub3A_258 = arith.subi %div3A_237, %sub3A_257 : i32
        %select_n3A_259 = arith.select %and3A_256, %sub3A_258, %div3A_237 : i32
        %dma_wait3A_260 = arith.constant 1 : i32
        %dma_wait3A_261 = arith.constant 0 : i32
        %dma_wait3A_262 = arith.constant 0 : i32
        %dma_wait3A_263 = tpu.memref_slice %arg10[%dma_wait3A_260, %dma_wait3A_261, %dma_wait3A_262] : memref<2x100x128xf32, #tpu.memory_space<vmem>> -> memref<1x100x128xf32, #tpu.memory_space<vmem>>
        %dma_wait3A_264 = tpu.memref_squeeze %dma_wait3A_263 : memref<1x100x128xf32, #tpu.memory_space<vmem>> -> memref<100x128xf32, #tpu.memory_space<vmem>>
        %dma_wait3A_265 = arith.constant 0 : i32
        %dma_wait3A_266 = tpu.memref_slice %arg5[%select_n3A_259, %dma_wait3A_265] : memref<409600x128xf32, #tpu.memory_space<hbm>> -> memref<100x128xf32, #tpu.memory_space<hbm>>
        %dma_wait3A_267 = arith.constant 0 : i32
        %dma_wait3A_268 = tpu.memref_slice %arg5[%select_n3A_259, %dma_wait3A_267] : memref<409600x128xf32, #tpu.memory_space<hbm>> -> memref<100x128xf32, #tpu.memory_space<hbm>>
        %dma_wait3A_269 = arith.constant 0 : i32
        %dma_wait3A_270 = arith.constant 0 : i32
        %dma_wait3A_271 = tpu.memref_slice %arg10[%dma_wait3A_260, %dma_wait3A_269, %dma_wait3A_270] : memref<2x100x128xf32, #tpu.memory_space<vmem>> -> memref<1x100x128xf32, #tpu.memory_space<vmem>>
        %dma_wait3A_272 = tpu.memref_squeeze %dma_wait3A_271 : memref<1x100x128xf32, #tpu.memory_space<vmem>> -> memref<100x128xf32, #tpu.memory_space<vmem>>
        tpu.wait_dma2 semaphore(%arg14 : memref<!tpu.dma_semaphore, #tpu.memory_space<semaphore_mem>>) src(%dma_wait3A_272 : memref<100x128xf32, #tpu.memory_space<vmem>>) dst(%dma_wait3A_268 : memref<100x128xf32, #tpu.memory_space<hbm>>)
      } else {
      }
      %mul3A_173 = arith.constant 200 : i32
      %mul3A_174 = arith.muli %add3A_167, %mul3A_173 : i32
      %dma_wait3A_175 = arith.constant 1 : i32
      %dma_wait3A_176 = arith.constant 0 : i32
      %dma_wait3A_177 = arith.constant 0 : i32
      %dma_wait3A_178 = tpu.memref_slice %arg9[%dma_wait3A_175, %dma_wait3A_176, %dma_wait3A_177] : memref<2x200x64xf32, #tpu.memory_space<vmem>> -> memref<1x200x64xf32, #tpu.memory_space<vmem>>
      %dma_wait3A_179 = tpu.memref_squeeze %dma_wait3A_178 : memref<1x200x64xf32, #tpu.memory_space<vmem>> -> memref<200x64xf32, #tpu.memory_space<vmem>>
      %dma_wait3A_180 = tpu.memref_slice %arg8[%mul3A_174] : memref<25600xi32, #tpu.memory_space<vmem>> -> memref<200xi32, #tpu.memory_space<vmem>>
      %dma_wait3A_181 = arith.constant 0 : i32
      %dma_wait3A_182 = arith.constant 0 : i32
      %dma_wait3A_183 = tpu.memref_slice %arg2[%dma_wait3A_181, %dma_wait3A_182] : memref<1000000x64xf32, #tpu.memory_space<hbm>> -> memref<1000000x64xf32, #tpu.memory_space<hbm>>
      tpu.wait_indirect_dma semaphore(%arg12 : memref<!tpu.dma_semaphore, #tpu.memory_space<semaphore_mem>>) src(%dma_wait3A_183 : memref<1000000x64xf32, #tpu.memory_space<hbm>>) dst(%dma_wait3A_179 : memref<200x64xf32, #tpu.memory_space<vmem>>)
      %parallel_loop3A_184 = arith.constant 0 : i32
      %parallel_loop3A_185 = arith.constant 100 : i32
      %parallel_loop3A_186 = arith.constant 1 : i32
      scf.for %parallel_loop3A_234 = %parallel_loop3A_184 to %parallel_loop3A_185 step %parallel_loop3A_186  : i32 {
        %parallel_loop3A_235 = arith.constant 2 : i32
        %parallel_loop3A_236 = arith.muli %parallel_loop3A_235, %parallel_loop3A_234 : i32
        %parallel_loop3A_237 = arith.constant 0 : i32
        %parallel_loop3A_238 = arith.addi %parallel_loop3A_236, %parallel_loop3A_237 : i32
        %parallel_loop3A_239 = arith.constant 1 : i32
        %parallel_loop3A_240 = arith.index_cast %parallel_loop3A_239 : i32 to index
        %parallel_loop3A_241 = arith.index_cast %parallel_loop3A_238 : i32 to index
        %parallel_loop3A_242 = arith.constant 0 : index
        %parallel_loop3A_243 = tpu.vector_load %arg9[%parallel_loop3A_240, %parallel_loop3A_241, %parallel_loop3A_242] {strides = array<i32>} : memref<2x200x64xf32, #tpu.memory_space<vmem>>, vector<1x1x16xf32>,
        %parallel_loop3A_244 = vector.shape_cast %parallel_loop3A_243 : vector<1x1x16xf32> to vector<16xf32>
        %parallel_loop3A_245 = arith.constant 8.000000e+00 : f32
        %parallel_loop3A_246 = vector.broadcast %parallel_loop3A_245 : f32 to vector<16xf32>
        %parallel_loop3A_247 = arith.mulf %parallel_loop3A_244, %parallel_loop3A_246 : vector<16xf32>
        %parallel_loop3A_248 = arith.constant 1 : i32
        %parallel_loop3A_249 = arith.index_cast %parallel_loop3A_248 : i32 to index
        %parallel_loop3A_250 = arith.index_cast %parallel_loop3A_234 : i32 to index
        %parallel_loop3A_251 = arith.constant 0 : index
        %parallel_loop3A_252 = tpu.vector_load %arg10[%parallel_loop3A_249, %parallel_loop3A_250, %parallel_loop3A_251] {strides = array<i32>} : memref<2x100x128xf32, #tpu.memory_space<vmem>>, vector<1x1x16xf32>,
        %parallel_loop3A_253 = vector.shape_cast %parallel_loop3A_252 : vector<1x1x16xf32> to vector<16xf32>
        %parallel_loop3A_254 = vector.shape_cast %parallel_loop3A_247 : vector<16xf32> to vector<1x1x16xf32>
        tpu.vector_store %arg10[%parallel_loop3A_249, %parallel_loop3A_250, %parallel_loop3A_251], %parallel_loop3A_254 {strides = array<i32>} : memref<2x100x128xf32, #tpu.memory_space<vmem>>, vector<1x1x16xf32>,
        %parallel_loop3A_255 = arith.constant 2 : i32
        %parallel_loop3A_256 = arith.muli %parallel_loop3A_255, %parallel_loop3A_234 : i32
        %parallel_loop3A_257 = arith.constant 0 : i32
        %parallel_loop3A_258 = arith.addi %parallel_loop3A_256, %parallel_loop3A_257 : i32
        %parallel_loop3A_259 = arith.constant 1 : i32
        %parallel_loop3A_260 = arith.index_cast %parallel_loop3A_259 : i32 to index
        %parallel_loop3A_261 = arith.index_cast %parallel_loop3A_258 : i32 to index
        %parallel_loop3A_262 = arith.constant 16 : index
        %parallel_loop3A_263 = tpu.vector_load %arg9[%parallel_loop3A_260, %parallel_loop3A_261, %parallel_loop3A_262] {strides = array<i32>} : memref<2x200x64xf32, #tpu.memory_space<vmem>>, vector<1x1x16xf32>,
        %parallel_loop3A_264 = vector.shape_cast %parallel_loop3A_263 : vector<1x1x16xf32> to vector<16xf32>
        %parallel_loop3A_265 = arith.constant 8.000000e+00 : f32
        %parallel_loop3A_266 = vector.broadcast %parallel_loop3A_265 : f32 to vector<16xf32>
        %parallel_loop3A_267 = arith.mulf %parallel_loop3A_264, %parallel_loop3A_266 : vector<16xf32>
        %parallel_loop3A_268 = arith.constant 1 : i32
        %parallel_loop3A_269 = arith.index_cast %parallel_loop3A_268 : i32 to index
        %parallel_loop3A_270 = arith.index_cast %parallel_loop3A_234 : i32 to index
        %parallel_loop3A_271 = arith.constant 16 : index
        %parallel_loop3A_272 = tpu.vector_load %arg10[%parallel_loop3A_269, %parallel_loop3A_270, %parallel_loop3A_271] {strides = array<i32>} : memref<2x100x128xf32, #tpu.memory_space<vmem>>, vector<1x1x16xf32>,
        %parallel_loop3A_273 = vector.shape_cast %parallel_loop3A_272 : vector<1x1x16xf32> to vector<16xf32>
        %parallel_loop3A_274 = vector.shape_cast %parallel_loop3A_267 : vector<16xf32> to vector<1x1x16xf32>
        tpu.vector_store %arg10[%parallel_loop3A_269, %parallel_loop3A_270, %parallel_loop3A_271], %parallel_loop3A_274 {strides = array<i32>} : memref<2x100x128xf32, #tpu.memory_space<vmem>>, vector<1x1x16xf32>,
        %parallel_loop3A_275 = arith.constant 2 : i32
        %parallel_loop3A_276 = arith.muli %parallel_loop3A_275, %parallel_loop3A_234 : i32
        %parallel_loop3A_277 = arith.constant 0 : i32
        %parallel_loop3A_278 = arith.addi %parallel_loop3A_276, %parallel_loop3A_277 : i32
        %parallel_loop3A_279 = arith.constant 1 : i32
        %parallel_loop3A_280 = arith.index_cast %parallel_loop3A_279 : i32 to index
        %parallel_loop3A_281 = arith.index_cast %parallel_loop3A_278 : i32 to index
        %parallel_loop3A_282 = arith.constant 32 : index
        %parallel_loop3A_283 = tpu.vector_load %arg9[%parallel_loop3A_280, %parallel_loop3A_281, %parallel_loop3A_282] {strides = array<i32>} : memref<2x200x64xf32, #tpu.memory_space<vmem>>, vector<1x1x16xf32>,
        %parallel_loop3A_284 = vector.shape_cast %parallel_loop3A_283 : vector<1x1x16xf32> to vector<16xf32>
        %parallel_loop3A_285 = arith.constant 8.000000e+00 : f32
        %parallel_loop3A_286 = vector.broadcast %parallel_loop3A_285 : f32 to vector<16xf32>
        %parallel_loop3A_287 = arith.mulf %parallel_loop3A_284, %parallel_loop3A_286 : vector<16xf32>
        %parallel_loop3A_288 = arith.constant 1 : i32
        %parallel_loop3A_289 = arith.index_cast %parallel_loop3A_288 : i32 to index
        %parallel_loop3A_290 = arith.index_cast %parallel_loop3A_234 : i32 to index
        %parallel_loop3A_291 = arith.constant 32 : index
        %parallel_loop3A_292 = tpu.vector_load %arg10[%parallel_loop3A_289, %parallel_loop3A_290, %parallel_loop3A_291] {strides = array<i32>} : memref<2x100x128xf32, #tpu.memory_space<vmem>>, vector<1x1x16xf32>,
        %parallel_loop3A_293 = vector.shape_cast %parallel_loop3A_292 : vector<1x1x16xf32> to vector<16xf32>
        %parallel_loop3A_294 = vector.shape_cast %parallel_loop3A_287 : vector<16xf32> to vector<1x1x16xf32>
        tpu.vector_store %arg10[%parallel_loop3A_289, %parallel_loop3A_290, %parallel_loop3A_291], %parallel_loop3A_294 {strides = array<i32>} : memref<2x100x128xf32, #tpu.memory_space<vmem>>, vector<1x1x16xf32>,
        %parallel_loop3A_295 = arith.constant 2 : i32
        %parallel_loop3A_296 = arith.muli %parallel_loop3A_295, %parallel_loop3A_234 : i32
        %parallel_loop3A_297 = arith.constant 0 : i32
        %parallel_loop3A_298 = arith.addi %parallel_loop3A_296, %parallel_loop3A_297 : i32
        %parallel_loop3A_299 = arith.constant 1 : i32
        %parallel_loop3A_300 = arith.index_cast %parallel_loop3A_299 : i32 to index
        %parallel_loop3A_301 = arith.index_cast %parallel_loop3A_298 : i32 to index
        %parallel_loop3A_302 = arith.constant 48 : index
        %parallel_loop3A_303 = tpu.vector_load %arg9[%parallel_loop3A_300, %parallel_loop3A_301, %parallel_loop3A_302] {strides = array<i32>} : memref<2x200x64xf32, #tpu.memory_space<vmem>>, vector<1x1x16xf32>,
        %parallel_loop3A_304 = vector.shape_cast %parallel_loop3A_303 : vector<1x1x16xf32> to vector<16xf32>
        %parallel_loop3A_305 = arith.constant 8.000000e+00 : f32
        %parallel_loop3A_306 = vector.broadcast %parallel_loop3A_305 : f32 to vector<16xf32>
        %parallel_loop3A_307 = arith.mulf %parallel_loop3A_304, %parallel_loop3A_306 : vector<16xf32>
        %parallel_loop3A_308 = arith.constant 1 : i32
        %parallel_loop3A_309 = arith.index_cast %parallel_loop3A_308 : i32 to index
        %parallel_loop3A_310 = arith.index_cast %parallel_loop3A_234 : i32 to index
        %parallel_loop3A_311 = arith.constant 48 : index
        %parallel_loop3A_312 = tpu.vector_load %arg10[%parallel_loop3A_309, %parallel_loop3A_310, %parallel_loop3A_311] {strides = array<i32>} : memref<2x100x128xf32, #tpu.memory_space<vmem>>, vector<1x1x16xf32>,
        %parallel_loop3A_313 = vector.shape_cast %parallel_loop3A_312 : vector<1x1x16xf32> to vector<16xf32>
        %parallel_loop3A_314 = vector.shape_cast %parallel_loop3A_307 : vector<16xf32> to vector<1x1x16xf32>
        tpu.vector_store %arg10[%parallel_loop3A_309, %parallel_loop3A_310, %parallel_loop3A_311], %parallel_loop3A_314 {strides = array<i32>} : memref<2x100x128xf32, #tpu.memory_space<vmem>>, vector<1x1x16xf32>,
        %parallel_loop3A_315 = arith.constant 2 : i32
        %parallel_loop3A_316 = arith.muli %parallel_loop3A_315, %parallel_loop3A_234 : i32
        %parallel_loop3A_317 = arith.constant 1 : i32
        %parallel_loop3A_318 = arith.addi %parallel_loop3A_316, %parallel_loop3A_317 : i32
        %parallel_loop3A_319 = arith.constant 1 : i32
        %parallel_loop3A_320 = arith.index_cast %parallel_loop3A_319 : i32 to index
        %parallel_loop3A_321 = arith.index_cast %parallel_loop3A_318 : i32 to index
        %parallel_loop3A_322 = arith.constant 0 : index
        %parallel_loop3A_323 = tpu.vector_load %arg9[%parallel_loop3A_320, %parallel_loop3A_321, %parallel_loop3A_322] {strides = array<i32>} : memref<2x200x64xf32, #tpu.memory_space<vmem>>, vector<1x1x16xf32>,
        %parallel_loop3A_324 = vector.shape_cast %parallel_loop3A_323 : vector<1x1x16xf32> to vector<16xf32>
        %parallel_loop3A_325 = arith.constant 8.000000e+00 : f32
        %parallel_loop3A_326 = vector.broadcast %parallel_loop3A_325 : f32 to vector<16xf32>
        %parallel_loop3A_327 = arith.mulf %parallel_loop3A_324, %parallel_loop3A_326 : vector<16xf32>
        %parallel_loop3A_328 = arith.constant 1 : i32
        %parallel_loop3A_329 = arith.index_cast %parallel_loop3A_328 : i32 to index
        %parallel_loop3A_330 = arith.index_cast %parallel_loop3A_234 : i32 to index
        %parallel_loop3A_331 = arith.constant 64 : index
        %parallel_loop3A_332 = tpu.vector_load %arg10[%parallel_loop3A_329, %parallel_loop3A_330, %parallel_loop3A_331] {strides = array<i32>} : memref<2x100x128xf32, #tpu.memory_space<vmem>>, vector<1x1x16xf32>,
        %parallel_loop3A_333 = vector.shape_cast %parallel_loop3A_332 : vector<1x1x16xf32> to vector<16xf32>
        %parallel_loop3A_334 = vector.shape_cast %parallel_loop3A_327 : vector<16xf32> to vector<1x1x16xf32>
        tpu.vector_store %arg10[%parallel_loop3A_329, %parallel_loop3A_330, %parallel_loop3A_331], %parallel_loop3A_334 {strides = array<i32>} : memref<2x100x128xf32, #tpu.memory_space<vmem>>, vector<1x1x16xf32>,
        %parallel_loop3A_335 = arith.constant 2 : i32
        %parallel_loop3A_336 = arith.muli %parallel_loop3A_335, %parallel_loop3A_234 : i32
        %parallel_loop3A_337 = arith.constant 1 : i32
        %parallel_loop3A_338 = arith.addi %parallel_loop3A_336, %parallel_loop3A_337 : i32
        %parallel_loop3A_339 = arith.constant 1 : i32
        %parallel_loop3A_340 = arith.index_cast %parallel_loop3A_339 : i32 to index
        %parallel_loop3A_341 = arith.index_cast %parallel_loop3A_338 : i32 to index
        %parallel_loop3A_342 = arith.constant 16 : index
        %parallel_loop3A_343 = tpu.vector_load %arg9[%parallel_loop3A_340, %parallel_loop3A_341, %parallel_loop3A_342] {strides = array<i32>} : memref<2x200x64xf32, #tpu.memory_space<vmem>>, vector<1x1x16xf32>,
        %parallel_loop3A_344 = vector.shape_cast %parallel_loop3A_343 : vector<1x1x16xf32> to vector<16xf32>
        %parallel_loop3A_345 = arith.constant 8.000000e+00 : f32
        %parallel_loop3A_346 = vector.broadcast %parallel_loop3A_345 : f32 to vector<16xf32>
        %parallel_loop3A_347 = arith.mulf %parallel_loop3A_344, %parallel_loop3A_346 : vector<16xf32>
        %parallel_loop3A_348 = arith.constant 1 : i32
        %parallel_loop3A_349 = arith.index_cast %parallel_loop3A_348 : i32 to index
        %parallel_loop3A_350 = arith.index_cast %parallel_loop3A_234 : i32 to index
        %parallel_loop3A_351 = arith.constant 80 : index
        %parallel_loop3A_352 = tpu.vector_load %arg10[%parallel_loop3A_349, %parallel_loop3A_350, %parallel_loop3A_351] {strides = array<i32>} : memref<2x100x128xf32, #tpu.memory_space<vmem>>, vector<1x1x16xf32>,
        %parallel_loop3A_353 = vector.shape_cast %parallel_loop3A_352 : vector<1x1x16xf32> to vector<16xf32>
        %parallel_loop3A_354 = vector.shape_cast %parallel_loop3A_347 : vector<16xf32> to vector<1x1x16xf32>
        tpu.vector_store %arg10[%parallel_loop3A_349, %parallel_loop3A_350, %parallel_loop3A_351], %parallel_loop3A_354 {strides = array<i32>} : memref<2x100x128xf32, #tpu.memory_space<vmem>>, vector<1x1x16xf32>,
        %parallel_loop3A_355 = arith.constant 2 : i32
        %parallel_loop3A_356 = arith.muli %parallel_loop3A_355, %parallel_loop3A_234 : i32
        %parallel_loop3A_357 = arith.constant 1 : i32
        %parallel_loop3A_358 = arith.addi %parallel_loop3A_356, %parallel_loop3A_357 : i32
        %parallel_loop3A_359 = arith.constant 1 : i32
        %parallel_loop3A_360 = arith.index_cast %parallel_loop3A_359 : i32 to index
        %parallel_loop3A_361 = arith.index_cast %parallel_loop3A_358 : i32 to index
        %parallel_loop3A_362 = arith.constant 32 : index
        %parallel_loop3A_363 = tpu.vector_load %arg9[%parallel_loop3A_360, %parallel_loop3A_361, %parallel_loop3A_362] {strides = array<i32>} : memref<2x200x64xf32, #tpu.memory_space<vmem>>, vector<1x1x16xf32>,
        %parallel_loop3A_364 = vector.shape_cast %parallel_loop3A_363 : vector<1x1x16xf32> to vector<16xf32>
        %parallel_loop3A_365 = arith.constant 8.000000e+00 : f32
        %parallel_loop3A_366 = vector.broadcast %parallel_loop3A_365 : f32 to vector<16xf32>
        %parallel_loop3A_367 = arith.mulf %parallel_loop3A_364, %parallel_loop3A_366 : vector<16xf32>
        %parallel_loop3A_368 = arith.constant 1 : i32
        %parallel_loop3A_369 = arith.index_cast %parallel_loop3A_368 : i32 to index
        %parallel_loop3A_370 = arith.index_cast %parallel_loop3A_234 : i32 to index
        %parallel_loop3A_371 = arith.constant 96 : index
        %parallel_loop3A_372 = tpu.vector_load %arg10[%parallel_loop3A_369, %parallel_loop3A_370, %parallel_loop3A_371] {strides = array<i32>} : memref<2x100x128xf32, #tpu.memory_space<vmem>>, vector<1x1x16xf32>,
        %parallel_loop3A_373 = vector.shape_cast %parallel_loop3A_372 : vector<1x1x16xf32> to vector<16xf32>
        %parallel_loop3A_374 = vector.shape_cast %parallel_loop3A_367 : vector<16xf32> to vector<1x1x16xf32>
        tpu.vector_store %arg10[%parallel_loop3A_369, %parallel_loop3A_370, %parallel_loop3A_371], %parallel_loop3A_374 {strides = array<i32>} : memref<2x100x128xf32, #tpu.memory_space<vmem>>, vector<1x1x16xf32>,
        %parallel_loop3A_375 = arith.constant 2 : i32
        %parallel_loop3A_376 = arith.muli %parallel_loop3A_375, %parallel_loop3A_234 : i32
        %parallel_loop3A_377 = arith.constant 1 : i32
        %parallel_loop3A_378 = arith.addi %parallel_loop3A_376, %parallel_loop3A_377 : i32
        %parallel_loop3A_379 = arith.constant 1 : i32
        %parallel_loop3A_380 = arith.index_cast %parallel_loop3A_379 : i32 to index
        %parallel_loop3A_381 = arith.index_cast %parallel_loop3A_378 : i32 to index
        %parallel_loop3A_382 = arith.constant 48 : index
        %parallel_loop3A_383 = tpu.vector_load %arg9[%parallel_loop3A_380, %parallel_loop3A_381, %parallel_loop3A_382] {strides = array<i32>} : memref<2x200x64xf32, #tpu.memory_space<vmem>>, vector<1x1x16xf32>,
        %parallel_loop3A_384 = vector.shape_cast %parallel_loop3A_383 : vector<1x1x16xf32> to vector<16xf32>
        %parallel_loop3A_385 = arith.constant 8.000000e+00 : f32
        %parallel_loop3A_386 = vector.broadcast %parallel_loop3A_385 : f32 to vector<16xf32>
        %parallel_loop3A_387 = arith.mulf %parallel_loop3A_384, %parallel_loop3A_386 : vector<16xf32>
        %parallel_loop3A_388 = arith.constant 1 : i32
        %parallel_loop3A_389 = arith.index_cast %parallel_loop3A_388 : i32 to index
        %parallel_loop3A_390 = arith.index_cast %parallel_loop3A_234 : i32 to index
        %parallel_loop3A_391 = arith.constant 112 : index
        %parallel_loop3A_392 = tpu.vector_load %arg10[%parallel_loop3A_389, %parallel_loop3A_390, %parallel_loop3A_391] {strides = array<i32>} : memref<2x100x128xf32, #tpu.memory_space<vmem>>, vector<1x1x16xf32>,
        %parallel_loop3A_393 = vector.shape_cast %parallel_loop3A_392 : vector<1x1x16xf32> to vector<16xf32>
        %parallel_loop3A_394 = vector.shape_cast %parallel_loop3A_387 : vector<16xf32> to vector<1x1x16xf32>
        tpu.vector_store %arg10[%parallel_loop3A_389, %parallel_loop3A_390, %parallel_loop3A_391], %parallel_loop3A_394 {strides = array<i32>} : memref<2x100x128xf32, #tpu.memory_space<vmem>>, vector<1x1x16xf32>,
      } {sc.loop_unroll_factor = 4 : i64, sc.parallel_access}
      %add3A_187 = arith.addi %mul3A_2, %add3A_167 : i32
      %mul3A_188 = arith.constant 200 : i32
      %mul3A_189 = arith.muli %add3A_187, %mul3A_188 : i32
      %jit3A_190 = arith.constant 2 : i32
      %div3A_191 = arith.divsi %mul3A_189, %jit3A_190 : i32
      %sign3A_192 = arith.constant 0 : i32
      %sign3A_193 = arith.cmpi sgt, %mul3A_189, %sign3A_192 : i32
      %sign3A_194 = arith.extui %sign3A_193 : i1 to i32
      %sign3A_195 = arith.constant 0 : i32
      %sign3A_196 = arith.cmpi slt, %mul3A_189, %sign3A_195 : i32
      %sign3A_197 = arith.extui %sign3A_196 : i1 to i32
      %sign3A_198 = arith.subi %sign3A_194, %sign3A_197 : i32
      %sign3A_199 = arith.constant 0 : i32
      %sign3A_200 = arith.cmpi sgt, %jit3A_190, %sign3A_199 : i32
      %sign3A_201 = arith.extui %sign3A_200 : i1 to i32
      %sign3A_202 = arith.constant 0 : i32
      %sign3A_203 = arith.cmpi slt, %jit3A_190, %sign3A_202 : i32
      %sign3A_204 = arith.extui %sign3A_203 : i1 to i32
      %sign3A_205 = arith.subi %sign3A_201, %sign3A_204 : i32
      %ne3A_206 = arith.cmpi ne, %sign3A_198, %sign3A_205 : i32
      %rem3A_207 = arith.remsi %mul3A_189, %jit3A_190 : i32
      %ne3A_208 = arith.constant 0 : i32
      %ne3A_209 = arith.cmpi ne, %rem3A_207, %ne3A_208 : i32
      %and3A_210 = arith.andi %ne3A_206, %ne3A_209 : i1
      %sub3A_211 = arith.constant 1 : i32
      %sub3A_212 = arith.subi %div3A_191, %sub3A_211 : i32
      %select_n3A_213 = arith.select %and3A_210, %sub3A_212, %div3A_191 : i32
      %dma_start3A_214 = arith.constant 1 : i32
      %dma_start3A_215 = arith.constant 0 : i32
      %dma_start3A_216 = arith.constant 0 : i32
      %dma_start3A_217 = tpu.memref_slice %arg10[%dma_start3A_214, %dma_start3A_215, %dma_start3A_216] : memref<2x100x128xf32, #tpu.memory_space<vmem>> -> memref<1x100x128xf32, #tpu.memory_space<vmem>>
      %dma_start3A_218 = tpu.memref_squeeze %dma_start3A_217 : memref<1x100x128xf32, #tpu.memory_space<vmem>> -> memref<100x128xf32, #tpu.memory_space<vmem>>
      %dma_start3A_219 = arith.constant 0 : i32
      %dma_start3A_220 = tpu.memref_slice %arg5[%select_n3A_213, %dma_start3A_219] : memref<409600x128xf32, #tpu.memory_space<hbm>> -> memref<100x128xf32, #tpu.memory_space<hbm>>
      %dma_start3A_221 = arith.constant 0 : i32
      %dma_start3A_222 = tpu.memref_slice %arg5[%select_n3A_213, %dma_start3A_221] : memref<409600x128xf32, #tpu.memory_space<hbm>> -> memref<100x128xf32, #tpu.memory_space<hbm>>
      %dma_start3A_223 = arith.constant 0 : i32
      %dma_start3A_224 = arith.constant 0 : i32
      %dma_start3A_225 = tpu.memref_slice %arg10[%dma_start3A_214, %dma_start3A_223, %dma_start3A_224] : memref<2x100x128xf32, #tpu.memory_space<vmem>> -> memref<1x100x128xf32, #tpu.memory_space<vmem>>
      %dma_start3A_226 = tpu.memref_squeeze %dma_start3A_225 : memref<1x100x128xf32, #tpu.memory_space<vmem>> -> memref<100x128xf32, #tpu.memory_space<vmem>>
      tpu.enqueue_dma source(%dma_start3A_226 : memref<100x128xf32, #tpu.memory_space<vmem>>) target(%dma_start3A_222 : memref<100x128xf32, #tpu.memory_space<hbm>>) target_semaphore(%arg14 : memref<!tpu.dma_semaphore, #tpu.memory_space<semaphore_mem>>)
      %add3A_227 = arith.constant 2 : i32
      %add3A_228 = arith.addi %add3A_167, %add3A_227 : i32
      %lt3A_229 = arith.constant 128 : i32
      %lt3A_230 = arith.cmpi slt, %add3A_228, %lt3A_229 : i32
      %convert_element_type3A_231 = arith.extui %lt3A_230 : i1 to i32
      %cond3A_232 = arith.constant 0 : i32
      %cond3A_233 = arith.cmpi ne, %convert_element_type3A_231, %cond3A_232 : i32
      scf.if %cond3A_233 {
        %add3A_234 = arith.constant 2 : i32
        %add3A_235 = arith.addi %add3A_167, %add3A_234 : i32
        %mul3A_236 = arith.constant 200 : i32
        %mul3A_237 = arith.muli %add3A_235, %mul3A_236 : i32
        %dma_start3A_238 = arith.constant 1 : i32
        %dma_start3A_239 = arith.constant 0 : i32
        %dma_start3A_240 = arith.constant 0 : i32
        %dma_start3A_241 = tpu.memref_slice %arg9[%dma_start3A_238, %dma_start3A_239, %dma_start3A_240] : memref<2x200x64xf32, #tpu.memory_space<vmem>> -> memref<1x200x64xf32, #tpu.memory_space<vmem>>
        %dma_start3A_242 = tpu.memref_squeeze %dma_start3A_241 : memref<1x200x64xf32, #tpu.memory_space<vmem>> -> memref<200x64xf32, #tpu.memory_space<vmem>>
        %dma_start3A_243 = tpu.memref_slice %arg8[%mul3A_237] : memref<25600xi32, #tpu.memory_space<vmem>> -> memref<200xi32, #tpu.memory_space<vmem>>
        %dma_start3A_244 = arith.constant 0 : i32
        %dma_start3A_245 = arith.constant 0 : i32
        %dma_start3A_246 = tpu.memref_slice %arg2[%dma_start3A_244, %dma_start3A_245] : memref<1000000x64xf32, #tpu.memory_space<hbm>> -> memref<1000000x64xf32, #tpu.memory_space<hbm>>
        tpu.enqueue_indirect_dma source(%dma_start3A_246 : memref<1000000x64xf32, #tpu.memory_space<hbm>>) target(%dma_start3A_242 : memref<200x64xf32, #tpu.memory_space<vmem>>) offsets(%dma_start3A_243 : memref<200xi32, #tpu.memory_space<vmem>>) semaphore(%arg12 : memref<!tpu.dma_semaphore, #tpu.memory_space<semaphore_mem>>)
      } else {
      }
    }
    %scan3A_27 = arith.constant 64 : i32
    %mul3A_28 = arith.constant 200 : i32
    %mul3A_29 = arith.muli %mul3A_2, %mul3A_28 : i32
    %jit3A = arith.constant 2 : i32
    %div3A = arith.divsi %mul3A_29, %jit3A : i32
    %sign3A = arith.constant 0 : i32
    %sign3A_30 = arith.cmpi sgt, %mul3A_29, %sign3A : i32
    %sign3A_31 = arith.extui %sign3A_30 : i1 to i32
    %sign3A_32 = arith.constant 0 : i32
    %sign3A_33 = arith.cmpi slt, %mul3A_29, %sign3A_32 : i32
    %sign3A_34 = arith.extui %sign3A_33 : i1 to i32
    %sign3A_35 = arith.subi %sign3A_31, %sign3A_34 : i32
    %sign3A_36 = arith.constant 0 : i32
    %sign3A_37 = arith.cmpi sgt, %jit3A, %sign3A_36 : i32
    %sign3A_38 = arith.extui %sign3A_37 : i1 to i32
    %sign3A_39 = arith.constant 0 : i32
    %sign3A_40 = arith.cmpi slt, %jit3A, %sign3A_39 : i32
    %sign3A_41 = arith.extui %sign3A_40 : i1 to i32
    %sign3A_42 = arith.subi %sign3A_38, %sign3A_41 : i32
    %ne3A = arith.cmpi ne, %sign3A_35, %sign3A_42 : i32
    %rem3A = arith.remsi %mul3A_29, %jit3A : i32
    %ne3A_43 = arith.constant 0 : i32
    %ne3A_44 = arith.cmpi ne, %rem3A, %ne3A_43 : i32
    %and3A = arith.andi %ne3A, %ne3A_44 : i1
    %sub3A = arith.constant 1 : i32
    %sub3A_45 = arith.subi %div3A, %sub3A : i32
    %select_n3A = arith.select %and3A, %sub3A_45, %div3A : i32
    %dma_wait3A = arith.constant 0 : i32
    %dma_wait3A_46 = arith.constant 0 : i32
    %dma_wait3A_47 = arith.constant 0 : i32
    %dma_wait3A_48 = tpu.memref_slice %arg10[%dma_wait3A, %dma_wait3A_46, %dma_wait3A_47] : memref<2x100x128xf32, #tpu.memory_space<vmem>> -> memref<1x100x128xf32, #tpu.memory_space<vmem>>
    %dma_wait3A_49 = tpu.memref_squeeze %dma_wait3A_48 : memref<1x100x128xf32, #tpu.memory_space<vmem>> -> memref<100x128xf32, #tpu.memory_space<vmem>>
    %dma_wait3A_50 = arith.constant 0 : i32
    %dma_wait3A_51 = tpu.memref_slice %arg5[%select_n3A, %dma_wait3A_50] : memref<409600x128xf32, #tpu.memory_space<hbm>> -> memref<100x128xf32, #tpu.memory_space<hbm>>
    %dma_wait3A_52 = arith.constant 0 : i32
    %dma_wait3A_53 = tpu.memref_slice %arg5[%select_n3A, %dma_wait3A_52] : memref<409600x128xf32, #tpu.memory_space<hbm>> -> memref<100x128xf32, #tpu.memory_space<hbm>>
    %dma_wait3A_54 = arith.constant 0 : i32
    %dma_wait3A_55 = arith.constant 0 : i32
    %dma_wait3A_56 = tpu.memref_slice %arg10[%dma_wait3A, %dma_wait3A_54, %dma_wait3A_55] : memref<2x100x128xf32, #tpu.memory_space<vmem>> -> memref<1x100x128xf32, #tpu.memory_space<vmem>>
    %dma_wait3A_57 = tpu.memref_squeeze %dma_wait3A_56 : memref<1x100x128xf32, #tpu.memory_space<vmem>> -> memref<100x128xf32, #tpu.memory_space<vmem>>
    tpu.wait_dma2 semaphore(%arg13 : memref<!tpu.dma_semaphore, #tpu.memory_space<semaphore_mem>>) src(%dma_wait3A_57 : memref<100x128xf32, #tpu.memory_space<vmem>>) dst(%dma_wait3A_53 : memref<100x128xf32, #tpu.memory_space<hbm>>)
    %mul3A_58 = arith.constant 200 : i32
    %mul3A_59 = arith.muli %mul3A_2, %mul3A_58 : i32
    %jit3A_60 = arith.constant 2 : i32
    %div3A_61 = arith.divsi %mul3A_59, %jit3A_60 : i32
    %sign3A_62 = arith.constant 0 : i32
    %sign3A_63 = arith.cmpi sgt, %mul3A_59, %sign3A_62 : i32
    %sign3A_64 = arith.extui %sign3A_63 : i1 to i32
    %sign3A_65 = arith.constant 0 : i32
    %sign3A_66 = arith.cmpi slt, %mul3A_59, %sign3A_65 : i32
    %sign3A_67 = arith.extui %sign3A_66 : i1 to i32
    %sign3A_68 = arith.subi %sign3A_64, %sign3A_67 : i32
    %sign3A_69 = arith.constant 0 : i32
    %sign3A_70 = arith.cmpi sgt, %jit3A_60, %sign3A_69 : i32
    %sign3A_71 = arith.extui %sign3A_70 : i1 to i32
    %sign3A_72 = arith.constant 0 : i32
    %sign3A_73 = arith.cmpi slt, %jit3A_60, %sign3A_72 : i32
    %sign3A_74 = arith.extui %sign3A_73 : i1 to i32
    %sign3A_75 = arith.subi %sign3A_71, %sign3A_74 : i32
    %ne3A_76 = arith.cmpi ne, %sign3A_68, %sign3A_75 : i32
    %rem3A_77 = arith.remsi %mul3A_59, %jit3A_60 : i32
    %ne3A_78 = arith.constant 0 : i32
    %ne3A_79 = arith.cmpi ne, %rem3A_77, %ne3A_78 : i32
    %and3A_80 = arith.andi %ne3A_76, %ne3A_79 : i1
    %sub3A_81 = arith.constant 1 : i32
    %sub3A_82 = arith.subi %div3A_61, %sub3A_81 : i32
    %select_n3A_83 = arith.select %and3A_80, %sub3A_82, %div3A_61 : i32
    %dma_wait3A_84 = arith.constant 1 : i32
    %dma_wait3A_85 = arith.constant 0 : i32
    %dma_wait3A_86 = arith.constant 0 : i32
    %dma_wait3A_87 = tpu.memref_slice %arg10[%dma_wait3A_84, %dma_wait3A_85, %dma_wait3A_86] : memref<2x100x128xf32, #tpu.memory_space<vmem>> -> memref<1x100x128xf32, #tpu.memory_space<vmem>>
    %dma_wait3A_88 = tpu.memref_squeeze %dma_wait3A_87 : memref<1x100x128xf32, #tpu.memory_space<vmem>> -> memref<100x128xf32, #tpu.memory_space<vmem>>
    %dma_wait3A_89 = arith.constant 0 : i32
    %dma_wait3A_90 = tpu.memref_slice %arg5[%select_n3A_83, %dma_wait3A_89] : memref<409600x128xf32, #tpu.memory_space<hbm>> -> memref<100x128xf32, #tpu.memory_space<hbm>>
    %dma_wait3A_91 = arith.constant 0 : i32
    %dma_wait3A_92 = tpu.memref_slice %arg5[%select_n3A_83, %dma_wait3A_91] : memref<409600x128xf32, #tpu.memory_space<hbm>> -> memref<100x128xf32, #tpu.memory_space<hbm>>
    %dma_wait3A_93 = arith.constant 0 : i32
    %dma_wait3A_94 = arith.constant 0 : i32
    %dma_wait3A_95 = tpu.memref_slice %arg10[%dma_wait3A_84, %dma_wait3A_93, %dma_wait3A_94] : memref<2x100x128xf32, #tpu.memory_space<vmem>> -> memref<1x100x128xf32, #tpu.memory_space<vmem>>
    %dma_wait3A_96 = tpu.memref_squeeze %dma_wait3A_95 : memref<1x100x128xf32, #tpu.memory_space<vmem>> -> memref<100x128xf32, #tpu.memory_space<vmem>>
    tpu.wait_dma2 semaphore(%arg14 : memref<!tpu.dma_semaphore, #tpu.memory_space<semaphore_mem>>) src(%dma_wait3A_96 : memref<100x128xf32, #tpu.memory_space<vmem>>) dst(%dma_wait3A_92 : memref<100x128xf32, #tpu.memory_space<hbm>>)
    return
  }
}

</mosaic_0001>

<sc_bundles>
// kernel: kernel.3.cloned.1.call-start
scs
__scs_entry_jumppad:
0x0: {  	(pc) =	sbr.rel $0x88, $3  }
0x1: {  	(tag) =	ssettag $0x0;
	lr =	simm.s32 $0x1  }
0x2: {  	[smem:$0x3F9F] =	sst lr;
	_ =	strace $0xD0000000  }
0x3: {  	_ = 	snop  }
0x4: {  	_ = 	snop  }
0x5: {  	_ = 	snop  }
0x6: {  	_ = 	snop  }
0x7: {  	_ = 	snop  }
__scs_overlays_trampoline_lowered:
0x8: {  	[smem:$0x3FAE] =	sst s0  }
0x9: {  	[smem:$0x3FAF] =	sst s1  }
0xa: {  	[smem:$0x3FB0] =	sst s2  }
0xb: {  	[smem:$0x3FB1] =	sst s3  }
0xc: {  	[smem:$0x3FB2] =	sst s4  }
0xd: {  	[smem:$0x3FB3] =	sst s5  }
0xe: {  	[smem:$0x3FB4] =	sst s6  }
0xf: {  	[smem:$0x3FB5] =	sst s7  }
0x10: {  	[smem:$0x3FB6] =	sst s8  }
0x11: {  	[smem:$0x3FB7] =	sst s9;
	s0 =	simm.s32 @!p0 $0x0  }
0x12: {  	s1 =	sld [smem:$0x3F9D];
	s0 =	simm.s32 @p0 $0x1  }
0x13: {  	[smem:$0x3FB8] =	sst s0;
	s0 =	simm.s32 @!p1 $0x0  }
0x14: {  	s2 =	sld [smem:$0x3F9C];
	s0 =	simm.s32 @p1 $0x1  }
0x15: {  	[smem:$0x3FB9] =	sst s0;
	s0 =	simm.s32 @!p2 $0x0  }
0x16: {  	s3 =	sld [smem:$0x3FDB];
	s0 =	simm.s32 @p2 $0x1  }
0x17: {  	s4 =	simm.s32 $0x1BF5;
	[smem:$0x3FBB] =	sst s0  }
0x18: {  	s0 =	sld [smem:$0x3F9E];
	_ =	swait.ge [sflag:s4], $0x0  }
0x19: {  	s7 =	sld [smem:$0x3F9F]  }
0x1a: {  	s8 =	sadd.s32 $0xFFFFE003, lr  }
0x1b: {  	s9 =	sadd.s32 $0xFFFFFEF7, lr;
	s5 =	simm.s32 $0xFFFFFFFF;
	p2 =	slt.u32 s8, $0xFFFFF086  }
0x1c: {  	p1 =	slt.u32 s9, $0xF7A;
	s5 =	simm.s32 @!p2 $0x0  }
0x1d: {  	s5 =	simm.s32 @p1 $0x1;
	p0 =	seq.s32 s7, s2  }
0x1e: {  	s7 =	smul.u32 @!p0 $0xF7A, s2;
	p2 =	seq.s32 @!p0 s5, $0x0  }
0x1f: {  	s9 =	smul.u32 $0xF7A, s1;
	s8 =	simm.s32 @!p0 $0x1BF5;
	p2 =	por !p2, p0  }
0x20: {  	[sflag:s8] =	ssyncset.s32 @!p0 $0xFFFFF086;
	s6 =	sadd.s32 @!p0 s3, s7;
	s7 =	simm.s32 @!p0 $0x108  }
0x21: {  	s3 =	sadd.s32 s3, s9;
	s6 =	sadd.s32 @!p0 $0x88, s6;
	s7 =	simm.s32 @p2 $0x1082  }
0x22: {  	[simem:s7], [sflag:s8] =	dma.local @!p0 [hbm:s6], $0xF7A  }
0x23: {  	s9 =	sor.u32 $0xD0000000, s2;
	s6 =	simm.s32 $0x108;
	_ =	swait.ge @!p0 [sflag:s8], $0x0  }
0x24: {  	s3 =	sadd.s32 $0x88, s3;
	s6 =	simm.s32 @!p1 $0x1082;
	[sflag:s4] =	ssyncset.s32 $0xFFFFF086  }
0x25: {  	[simem:s6], [sflag:s4] =	dma.local [hbm:s3], $0xF7A  }
0x26: {  	[smem:$0x3F9F] =	sst s1;
	(tag) =	ssettag s2;
	_ =	strace s9  }
0x27: {  	s1 =	sld [smem:$0x3FAF]  }
0x28: {  	s2 =	sld [smem:$0x3FB0]  }
0x29: {  	s4 =	sld [smem:$0x3FB2]  }
0x2a: {  	p0 =	seq.s32 s5, $0x0;
	s5 =	sld [smem:$0x3FB3]  }
0x2b: {  	s6 =	sld [smem:$0x3FB4]  }
0x2c: {  	s7 =	sld [smem:$0x3FB5]  }
0x2d: {  	s3 =	simm.s32 $0x108;
	s8 =	sld [smem:$0x3FB6]  }
0x2e: {  	s3 =	simm.s32 @!p0 $0x1082;
	s9 =	sld [smem:$0x3FB7]  }
0x2f: {  	lr =	sadd.s32 s0, s3;
	s0 =	sld [smem:$0x3FAE]  }
0x30: {  	s3 =	sld [smem:$0x3FB1]  }
0x31: {  	[smem:$0x3FBA] =	sst s10  }
0x32: {  	s10 =	sld [smem:$0x3FB8];
	_ =	sdelay $0x3  }
0x33: {  	p0 =	seq.s32 s10, $0x1;
	s10 =	sld [smem:$0x3FBA];
	_ =	sdelay $0x3  }
0x34: {  	[smem:$0x3FBA] =	sst s10  }
0x35: {  	s10 =	sld [smem:$0x3FB9];
	_ =	sdelay $0x3  }
0x36: {  	p1 =	seq.s32 s10, $0x1;
	s10 =	sld [smem:$0x3FBA];
	_ =	sdelay $0x3  }
0x37: {  	[smem:$0x3FBA] =	sst s10  }
0x38: {  	s10 =	sld [smem:$0x3FBB]  }
0x39: {  	_ = 	snop;
	(pc) =	sbr.ind lr, $3  }
0x3a: {  	_ = 	snop  }
0x3b: {  	_ = 	snop  }
0x3c: {  	p2 =	seq.s32 s10, $0x1;
	s10 =	sld [smem:$0x3FBA]  }
0x3d: {  	_ =	shalt  }
0x3e: {  	_ =	shalt  }
0x3f: {  	_ =	shalt  }
0x40: {  	_ =	shalt  }
0x41: {  	_ =	shalt  }
0x42: {  	_ =	shalt  }
0x43: {  	_ =	shalt  }
0x44: {  	_ =	shalt  }
0x45: {  	_ =	shalt  }
0x46: {  	_ =	shalt  }
0x47: {  	_ =	shalt  }
0x48: {  	_ =	shalt  }
0x49: {  	_ =	shalt  }
0x4a: {  	_ =	shalt  }
0x4b: {  	_ =	shalt  }
0x4c: {  	_ =	shalt  }
0x4d: {  	_ =	shalt  }
0x4e: {  	_ =	shalt  }
0x4f: {  	_ =	shalt  }
0x50: {  	_ =	shalt  }
0x51: {  	_ =	shalt  }
0x52: {  	_ =	shalt  }
0x53: {  	_ =	shalt  }
0x54: {  	_ =	shalt  }
0x55: {  	_ =	shalt  }
0x56: {  	_ =	shalt  }
0x57: {  	_ =	shalt  }
0x58: {  	_ =	shalt  }
0x59: {  	_ =	shalt  }
0x5a: {  	_ =	shalt  }
0x5b: {  	_ =	shalt  }
0x5c: {  	_ =	shalt  }
0x5d: {  	_ =	shalt  }
0x5e: {  	_ =	shalt  }
0x5f: {  	_ =	shalt  }
0x60: {  	_ =	shalt  }
0x61: {  	_ =	shalt  }
0x62: {  	_ =	shalt  }
0x63: {  	_ =	shalt  }
0x64: {  	_ =	shalt  }
0x65: {  	_ =	shalt  }
0x66: {  	_ =	shalt  }
0x67: {  	_ =	shalt  }
0x68: {  	_ =	shalt  }
0x69: {  	_ =	shalt  }
0x6a: {  	_ =	shalt  }
0x6b: {  	_ =	shalt  }
0x6c: {  	_ =	shalt  }
0x6d: {  	_ =	shalt  }
0x6e: {  	_ =	shalt  }
0x6f: {  	_ =	shalt  }
0x70: {  	_ =	shalt  }
0x71: {  	_ =	shalt  }
0x72: {  	_ =	shalt  }
0x73: {  	_ =	shalt  }
0x74: {  	_ =	shalt  }
0x75: {  	_ =	shalt  }
0x76: {  	_ =	shalt  }
0x77: {  	_ =	shalt  }
0x78: {  	_ =	shalt  }
0x79: {  	_ =	shalt  }
0x7a: {  	_ =	shalt  }
0x7b: {  	_ =	shalt  }
0x7c: {  	_ =	shalt  }
0x7d: {  	_ =	shalt  }
0x7e: {  	_ =	shalt  }
0x7f: {  	_ =	shalt  }
0x80: {  	_ =	shalt  }
0x81: {  	_ =	shalt  }
0x82: {  	_ =	shalt  }
0x83: {  	_ =	shalt  }
0x84: {  	_ =	shalt  }
0x85: {  	_ =	shalt  }
0x86: {  	_ =	shalt  }
0x87: {  	_ =	shalt  }
.Lfunc_end0:
.L_simem_size_0:
called_computation.1_lowered:
.L_overlay_start_0:
0x88: {  	s2 =	sld [smem:$0x3FD9]  }
0x89: {  	s3 =	sld [smem:$0x3FFE];
	_ =	sdelay $0x1  }
0x8a: {  	s1 =	srdreg.scid  }
0x8b: {  	s0 =	sand.u32 $0x1, s1  }
0x8c: {  	s17 =	sshll.u32 s0, $0xA;
	s2 =	sadd.s32 s3, s2  }
0x8d: {  	s2 =	sadd.s32 s2, s17  }
0x8e: {  	[smem:$0x3FC6] =	sst s2  }
0x8f: {  	_ = 	snop  }
0x90: {  	s2 =	sld [smem:$0x3FD0];
	(tm) =	ssettm $0x1  }
0x91: {  	s18 =	sld [smem:$0x3FFB];
	_ =	sdelay $0x3  }
0x92: {  	_ =	strace s18  }
0x93: {  	s3 =	sld [smem:$0x3FFC];
	_ =	sdelay $0x3  }
0x94: {  	_ =	strace s3  }
0x95: {  	s3 =	sld [smem:$0x3FFD];
	_ =	sdelay $0x3  }
0x96: {  	_ =	strace s3  }
0x97: {  	_ =	strace $0x8FFFFFFF  }
0x98: {  	s19 =	sld [smem:$0x3FDB];
	_ =	sdelay $0x1  }
0x99: {  	s4 =	simm.s32 $_scs_section_size  }
0x9a: {  	s5 =	simm.s32 $_size__tile_overlayer_lowered;
	s6 =	simm.s32 $_tile_overlayer_lowered  }
0x9b: {  	s22 =	simm.s32 $0x1BFF;
	s21 =	sshll.u32 s6, $0x1;
	s3 =	sadd.s32 s4, s19  }
0x9c: {  	s7 =	simm.s32 $0x0;
	s20 =	sshll.u32 s5, $0x1;
	s5 =	sadd.s32 s21, s3  }
0x9d: {  	[timem:s7], [sflag:s22] =	dma.local [hbm:s5], s20  }
0x9e: {  	_ =	swait.ge [sflag:s22], s20  }
0x9f: {  	s4 =	ssub.s32 $0x0, s20;
	[sflag:s22] =	ssyncset.done $0x0  }
0xa0: {  	[sflag:s22] =	ssyncadd.s32 s4;
	_ =	sdelay $0x1  }
0xa1: {  	s23 =	simm.s32 $0x1B8B  }
0xa2: {  	_ =	swait.ge [sflag:s23], $0x1  }
0xa3: {  	[sflag:s23] =	ssyncset.done $0x0  }
0xa4: {  	s25 =	simm.s32 $0x1B8E;
	s24 =	sld [smem:$0x3FFE];
	[sflag:s23] =	ssyncadd.s32 $0xFFFFFFFF  }
0xa5: {  	s26 =	simm.s32 $execute0_lowered;
	[smem:$0x3FD2] =	sst s25  }
0xa6: {  	s5 =	sshll.u32 s26, $0x1;
	_ =	strace $0x80000046;
	[dreg:$0x1] =	wrdreg $0xFFFFFFFF  }
0xa7: {  	s28 =	simm.s32 $_size_execute0_lowered;
	s3 =	sadd.s32 s3, s5;
	[dreg:$0x0] =	wrdreg $0x0  }
0xa8: {  	s5 =	sshll.u32 s28, $0x1;
	[dreg:$0x2] =	wrdreg s3  }
0xa9: {  	[dreg:$0x3] =	wrdreg s5  }
0xaa: {  	[dreg:$0x4] =	wrdreg $0xC0  }
0xab: {  	_ =	task [dreg:s7], $0x5FFFF  }
0xac: {  	[dreg:$0x1] =	wrdreg $0xFFFFFFFF  }
0xad: {  	[dreg:$0x0] =	wrdreg $0x60  }
0xae: {  	[dreg:$0x2] =	wrdreg s24  }
0xaf: {  	[dreg:$0x3] =	wrdreg s2  }
0xb0: {  	[dreg:$0x4] =	wrdreg $0x9  }
0xb1: {  	_ =	task.clear_ibuf [dreg:s7], $0x5FFFF;
	_ =	strace $0x90000046  }
0xb2: {  	s29 =	simm.s32 $0x9;
	_ =	strace $0x80000048  }
0xb3: {  	_ =	swait.ge [sflag:s29], $0x1  }
0xb4: {  	[sflag:s29] =	ssyncadd.s32 $0xFFFFFFFF  }
0xb5: {  	_ =	strace $0x90000048  }
0xb6: {  	_ =	sfence  }
0xb7: {  	s30 =	sld [smem:$0x0];
	_ =	sdelay $0x2  }
0xb8: {  	s31 =	sshll.u32 s1, $0xD;
	s1 =	sshrl.u32 s1, $0x2  }
0xb9: {  	s3 =	sand.u32 $0x4000, s31;
	s1 =	sadd.s32 s1, s30  }
0xba: {  	s0 =	sor.u32 s3, s0;
	s1 =	sshll.u32 s1, $0x11  }
0xbb: {  	s0 =	sor.u32 s1, s0  }
0xbc: {  	s0 =	sadd.s32 $0x8F2B, s0  }
0xbd: {  	[sflag:s0] =	ssyncadd.remote.s32 $0x1  }
0xbe: {  	_ =	sfence.sel $0xFFFF  }
0xbf: {  	[dreg:$0x0] =	wrdreg $0xFFFFFFFF;
	(pc) =	sbr.abs _section_cstart, $3  }
0xc0: {  	[dreg:$0x1] =	wrdreg $0xFFFFFFFF  }
0xc1: {  	_ =	task.clear_ibuf [dreg:s7], $0x2FFFF;
	_ =	strace $0x9FFFFFFF  }
0xc2: {  	(tm) =	ssettm $0x7FFFFFFF  }
0xc3: {  	_ =	shalt  }
tec
execute0_lowered:
.L_overlay_start_1:
0x0: {  	(tag) =	ssettag $0x1  }
0x1: {  	s6 =	rddreg [dreg:$0x0]  }
0x2: {  	s2 =	rddreg [dreg:$0x1];
	s3 =	srdreg.scid  }
0x3: {  	s0 =	rddreg [dreg:$0x2];
	s1 =	stileid.u32  }
0x4: {  	s11 =	simm.s32 $0xC8;
	s12 =	simm.s32 $0x6400;
	s13 =	simm.s32 $0xC800  }
0x5: {  	s14 =	simm.s32 $0x64C8;
	s15 =	simm.s32 $0xFA00;
	s16 =	simm.s32 $0x1  }
0x6: {  	s17 =	simm.s32 $0x12C00;
	s18 =	simm.s32 $0x2;
	s19 =	simm.s32 $0x15E00  }
0x7: {  	s20 =	simm.s32 $0x3;
	s21 =	simm.s32 $0x4;
	s22 =	simm.s32 $0x0  }
0x8: {  	s7 =	sand.u32 $0x1, s3;
	s3 =	simm.s32 $0x0;
	s4 =	sshll.u32 s1, $0x8  }
0x9: {  	s5 =	sshll.u32 s7, $0x7;
	[smem:$0x7FF] =	sst s3;
	s7 =	ssub.s32 $0x2, s7  }
.Ltmp0:
0xa: {  	s4 =	sor.u32 s5, s4;
	_ =	strace $0x80000047;
	(pc) =	sbr.rel .LBB2_1-.Ltmp0, $4  }
0xb: {  	s31 =	sshrl.u32 s7, $0x1;
	s8 =	smul.u32 $0x9, s4;
	s9 =	sshll.u32 s4, $0x4  }
0xc: {  	s5 =	sadd.s32 $0xF53200, s6;
	s10 =	ssub.s32 s7, s31;
	s9 =	sadd.s32 s9, s6  }
0xd: {  	s8 =	sadd.s32 s8, s6;
	s6 =	sadd.s32 $0xE00, s9;
	s9 =	simm.s32 $0x5  }
0xe: {  	s7 =	sadd.s32 $0x10E00, s8;
	s8 =	smax.u32 s10, $0x1;
	s10 =	simm.s32 $0x4000  }
.LBB2_12:
0xf: {  	s22 =	sadd.s32 $0x1, s22  }
0x10: {  	_ =	swait.ge [sflag:s20], $0x3200;
	p0 =	sne.s32 s22, s8  }
.Ltmp1:
0x11: {  	[sflag:s20] =	ssyncset.done $0x0;
	(pc) =	sbr.rel @!p0 .LBB2_13-.Ltmp1, $4  }
0x12: {  	[sflag:s20] =	ssyncadd.s32 $0xFFFFCE00  }
0x13: {  	_ =	swait.ge [sflag:s21], $0x3200  }
0x14: {  	[sflag:s21] =	ssyncset.done $0x0  }
0x15: {  	[sflag:s21] =	ssyncadd.s32 $0xFFFFCE00  }
.LBB2_1:
0x16: {  	[tilespmem:s3], [sflag:$0x5] =	stream.linear.gather [hbm4b:s6+s3], $0x4000, $0x38;
	[tilespmem:$0x19000] =	vst v63  }
0x17: {  	_ =	swait.ge [sflag:s9], $0x4000  }
0x18: {  	[sflag:s9] =	ssyncset.done $0x0  }
0x19: {  	[sflag:s9] =	ssyncadd.s32 $0xFFFFC000  }
0x1a: {  	[tilespmem:s10], [sflag:$0x5] =	stream.linear.gather [hbm4b:s7+s3], $0x2400, $0x38;
	[tilespmem:$0x19000] =	vst v63  }
0x1b: {  	_ =	swait.ge [sflag:s9], $0x2400  }
0x1c: {  	[sflag:s9] =	ssyncset.done $0x0  }
0x1d: {  	s24 =	simm.s32 $0x100;
	[sflag:s9] =	ssyncadd.s32 $0xFFFFDC00  }
0x1e: {  	v1 =	vld [tilespmem:s24+$0xFFFFFF80];
	_ =	sdelay $0x2  }
0x1f: {  	v0 =	vld [tilespmem:s24+$0x80]  }
0x20: {  	s23 =	simm.s32 $0x6590;
	v2 =	vld [tilespmem:s24+$0x0]  }
0x21: {  	v3 =	vld [tilespmem:s24+$0xFFFFFF00];
	[tilespmem:s23+$0xFFFFFF38] =	vst v1  }
0x22: {  	v1 =	vld [tilespmem:s24+$0xFFFFFF90];
	_ =	sdelay $0x1  }
0x23: {  	[tilespmem:s23+$0xC8] =	vst v0  }
0x24: {  	[tilespmem:s23+$0x0] =	vst v2;
	v0 =	vld [tilespmem:s24+$0x90]  }
0x25: {  	[tilespmem:s23+$0xFFFFFE70] =	vst v3;
	v2 =	vld [tilespmem:s24+$0x10]  }
0x26: {  	v3 =	vld [tilespmem:s24+$0xFFFFFF10];
	[tilespmem:s23+$0xFFFFFF48] =	vst v1  }
0x27: {  	v1 =	vld [tilespmem:s24+$0xFFFFFFA0];
	_ =	sdelay $0x1  }
0x28: {  	[tilespmem:s23+$0xD8] =	vst v0  }
0x29: {  	[tilespmem:s23+$0x10] =	vst v2;
	v0 =	vld [tilespmem:s24+$0xA0]  }
0x2a: {  	[tilespmem:s23+$0xFFFFFE80] =	vst v3;
	v2 =	vld [tilespmem:s24+$0x20]  }
0x2b: {  	v3 =	vld [tilespmem:s24+$0xFFFFFF20];
	[tilespmem:s23+$0xFFFFFF58] =	vst v1  }
0x2c: {  	v1 =	vld [tilespmem:s24+$0xFFFFFFB0];
	_ =	sdelay $0x1  }
0x2d: {  	[tilespmem:s23+$0xE8] =	vst v0  }
0x2e: {  	[tilespmem:s23+$0x20] =	vst v2;
	v0 =	vld [tilespmem:s24+$0xB0]  }
0x2f: {  	[tilespmem:s23+$0xFFFFFE90] =	vst v3;
	v2 =	vld [tilespmem:s24+$0x30]  }
0x30: {  	v3 =	vld [tilespmem:s24+$0xFFFFFF30];
	[tilespmem:s23+$0xFFFFFF68] =	vst v1  }
0x31: {  	v1 =	vld [tilespmem:s24+$0xFFFFFFC0];
	_ =	sdelay $0x1  }
0x32: {  	[tilespmem:s23+$0xF8] =	vst v0  }
0x33: {  	[tilespmem:s23+$0x30] =	vst v2;
	v0 =	vld [tilespmem:s24+$0xC0]  }
0x34: {  	[tilespmem:s23+$0xFFFFFEA0] =	vst v3;
	v2 =	vld [tilespmem:s24+$0x40]  }
0x35: {  	v3 =	vld [tilespmem:s24+$0xFFFFFF40];
	[tilespmem:s23+$0xFFFFFF78] =	vst v1  }
0x36: {  	v1 =	vld [tilespmem:s24+$0xFFFFFFD0];
	_ =	sdelay $0x1  }
0x37: {  	[tilespmem:s23+$0x108] =	vst v0  }
0x38: {  	[tilespmem:s23+$0x40] =	vst v2;
	v0 =	vld [tilespmem:s24+$0xD0]  }
0x39: {  	[tilespmem:s23+$0xFFFFFEB0] =	vst v3;
	v2 =	vld [tilespmem:s24+$0x50]  }
0x3a: {  	v3 =	vld [tilespmem:s24+$0xFFFFFF50];
	[tilespmem:s23+$0xFFFFFF88] =	vst v1  }
0x3b: {  	v1 =	vld [tilespmem:s24+$0xFFFFFFE0];
	_ =	sdelay $0x1  }
0x3c: {  	[tilespmem:s23+$0x118] =	vst v0  }
0x3d: {  	[tilespmem:s23+$0x50] =	vst v2;
	v0 =	vld [tilespmem:s24+$0xE0]  }
0x3e: {  	[tilespmem:s23+$0xFFFFFEC0] =	vst v3;
	v2 =	vld [tilespmem:s24+$0x60]  }
0x3f: {  	v3 =	vld [tilespmem:s24+$0xFFFFFF60];
	[tilespmem:s23+$0xFFFFFF98] =	vst v1  }
0x40: {  	s25 =	simm.s32 $0x300;
	v1 =	vld [tilespmem:s24+$0xFFFFFFF0]  }
0x41: {  	v4 =	vld [tilespmem:s25+$0x80]  }
0x42: {  	v5 =	vld [tilespmem:s25+$0xFFFFFF80];
	[tilespmem:s23+$0x128] =	vst v0  }
0x43: {  	[tilespmem:s23+$0x60] =	vst v2;
	v0 =	vld [tilespmem:s24+$0xF0]  }
0x44: {  	[tilespmem:s23+$0xFFFFFED0] =	vst v3;
	v2 =	vld [tilespmem:s24+$0x70]  }
0x45: {  	s26 =	simm.s32 $0x4090;
	v3 =	vld [tilespmem:s24+$0xFFFFFF70];
	[tilespmem:s23+$0xFFFFFFA8] =	vst v1  }
0x46: {  	s24 =	simm.s32 $0x68B0;
	v1 =	vld [tilespmem:s26+$0xFFFFFFB8]  }
0x47: {  	[tilespmem:s24+$0xC8] =	vst v4  }
0x48: {  	v4 =	vld [tilespmem:s25+$0x90];
	[tilespmem:s23+$0x138] =	vst v0  }
0x49: {  	[tilespmem:s23+$0x70] =	vst v2;
	v0 =	vld [tilespmem:s26+$0x48]  }
0x4a: {  	[tilespmem:s24+$0xFFFFFF38] =	vst v5;
	v2 =	vld [tilespmem:s26+$0x0]  }
0x4b: {  	[tilespmem:s23+$0xFFFFFFB8] =	vst v1;
	v1 =	vld [tilespmem:s25+$0x0]  }
0x4c: {  	[tilespmem:s23+$0xFFFFFEE0] =	vst v3;
	v3 =	vld [tilespmem:s25+$0xFFFFFF00]  }
0x4d: {  	v5 =	vld [tilespmem:s25+$0xFFFFFF90];
	[tilespmem:s24+$0xD8] =	vst v4  }
0x4e: {  	v4 =	vld [tilespmem:s25+$0xA0];
	[tilespmem:s23+$0x148] =	vst v0  }
0x4f: {  	[tilespmem:s23+$0x80] =	vst v2;
	v2 =	vld [tilespmem:s26+$0xFFFFFF70]  }
0x50: {  	v0 =	vld [tilespmem:s26+$0x58];
	[tilespmem:s24+$0x0] =	vst v1  }
0x51: {  	[tilespmem:s24+$0xFFFFFE70] =	vst v3;
	v1 =	vld [tilespmem:s25+$0x10]  }
0x52: {  	[tilespmem:s24+$0xFFFFFF48] =	vst v5;
	v3 =	vld [tilespmem:s25+$0xFFFFFF10]  }
0x53: {  	v5 =	vld [tilespmem:s25+$0xFFFFFFA0];
	[tilespmem:s24+$0xE8] =	vst v4  }
0x54: {  	v4 =	vld [tilespmem:s25+$0xB0];
	[tilespmem:s23+$0xFFFFFEF0] =	vst v2  }
0x55: {  	[tilespmem:s23+$0x158] =	vst v0;
	v2 =	vld [tilespmem:s26+$0xFFFFFF80]  }
0x56: {  	v0 =	vld [tilespmem:s26+$0x68];
	[tilespmem:s24+$0x10] =	vst v1  }
0x57: {  	[tilespmem:s24+$0xFFFFFE80] =	vst v3;
	v1 =	vld [tilespmem:s25+$0x20]  }
0x58: {  	[tilespmem:s24+$0xFFFFFF58] =	vst v5;
	v3 =	vld [tilespmem:s25+$0xFFFFFF20]  }
0x59: {  	v5 =	vld [tilespmem:s25+$0xFFFFFFB0];
	[tilespmem:s24+$0xF8] =	vst v4  }
0x5a: {  	v4 =	vld [tilespmem:s25+$0xC0];
	[tilespmem:s23+$0xFFFFFF00] =	vst v2  }
0x5b: {  	v2 =	vld [tilespmem:s26+$0xFFFFFFC8];
	[tilespmem:s23+$0x168] =	vst v0  }
0x5c: {  	v0 =	vld [tilespmem:s26+$0x78];
	[tilespmem:s24+$0x20] =	vst v1  }
0x5d: {  	[tilespmem:s24+$0xFFFFFE90] =	vst v3;
	v1 =	vld [tilespmem:s25+$0x30]  }
0x5e: {  	[tilespmem:s24+$0xFFFFFF68] =	vst v5;
	v3 =	vld [tilespmem:s25+$0xFFFFFF30]  }
0x5f: {  	v5 =	vld [tilespmem:s25+$0xFFFFFFC0];
	[tilespmem:s24+$0x108] =	vst v4  }
0x60: {  	v4 =	vld [tilespmem:s25+$0xD0];
	[tilespmem:s23+$0xFFFFFFC8] =	vst v2  }
0x61: {  	v2 =	vld [tilespmem:s26+$0x10];
	[tilespmem:s23+$0x178] =	vst v0  }
0x62: {  	v0 =	vld [tilespmem:s26+$0x80];
	[tilespmem:s24+$0x30] =	vst v1  }
0x63: {  	[tilespmem:s24+$0xFFFFFEA0] =	vst v3;
	v1 =	vld [tilespmem:s25+$0x40]  }
0x64: {  	[tilespmem:s24+$0xFFFFFF78] =	vst v5;
	v3 =	vld [tilespmem:s25+$0xFFFFFF40]  }
0x65: {  	v5 =	vld [tilespmem:s25+$0xFFFFFFD0];
	[tilespmem:s24+$0x118] =	vst v4  }
0x66: {  	[tilespmem:s23+$0x90] =	vst v2;
	v4 =	vld [tilespmem:s25+$0xE0]  }
0x67: {  	[tilespmem:s23+$0x180] =	vst v0;
	v0 =	vld [tilespmem:s26+$0xFFFFFF90]  }
0x68: {  	v2 =	vld [tilespmem:s26+$0xFFFFFFD8];
	[tilespmem:s24+$0x40] =	vst v1  }
0x69: {  	[tilespmem:s24+$0xFFFFFEB0] =	vst v3;
	v1 =	vld [tilespmem:s25+$0x50]  }
0x6a: {  	[tilespmem:s24+$0xFFFFFF88] =	vst v5;
	v3 =	vld [tilespmem:s25+$0xFFFFFF50]  }
0x6b: {  	v5 =	vld [tilespmem:s25+$0xFFFFFFE0];
	[tilespmem:s24+$0x128] =	vst v4  }
0x6c: {  	[tilespmem:s23+$0xFFFFFF10] =	vst v0;
	v0 =	vld [tilespmem:s26+$0x20]  }
0x6d: {  	[tilespmem:s23+$0xFFFFFFD8] =	vst v2;
	v4 =	vld [tilespmem:s25+$0xF0]  }
0x6e: {  	v2 =	vld [tilespmem:s26+$0xFFFFFFA0];
	[tilespmem:s24+$0x50] =	vst v1  }
0x6f: {  	[tilespmem:s24+$0xFFFFFEC0] =	vst v3;
	v1 =	vld [tilespmem:s25+$0x60]  }
0x70: {  	[tilespmem:s24+$0xFFFFFF98] =	vst v5;
	v3 =	vld [tilespmem:s25+$0xFFFFFF60]  }
0x71: {  	[tilespmem:s23+$0xA0] =	vst v0;
	v0 =	vld [tilespmem:s26+$0xFFFFFFE8]  }
0x72: {  	v5 =	vld [tilespmem:s25+$0xFFFFFFF0];
	[tilespmem:s24+$0x138] =	vst v4  }
0x73: {  	[tilespmem:s23+$0xFFFFFF20] =	vst v2;
	v2 =	vld [tilespmem:s26+$0x30]  }
0x74: {  	[tilespmem:s24+$0x60] =	vst v1;
	v1 =	vld [tilespmem:s26+$0xFFFFFFA8]  }
0x75: {  	[tilespmem:s24+$0xFFFFFED0] =	vst v3;
	v6 =	vld [tilespmem:s25+$0x70]  }
0x76: {  	v7 =	vld [tilespmem:s25+$0xFFFFFF70];
	[tilespmem:s23+$0xFFFFFFE8] =	vst v0  }
0x77: {  	[tilespmem:s24+$0xFFFFFFA8] =	vst v5;
	v0 =	vld [tilespmem:s26+$0xFFFFFFF0];
	s25 =	simm.s32 $0x41B0  }
0x78: {  	[tilespmem:s23+$0xB0] =	vst v2;
	v3 =	vld [tilespmem:s25+$0x48]  }
0x79: {  	v2 =	vld [tilespmem:s25+$0xFFFFFFB8];
	[tilespmem:s23+$0xFFFFFF28] =	vst v1  }
0x7a: {  	v1 =	vld [tilespmem:s26+$0x38];
	[tilespmem:s24+$0x70] =	vst v6  }
0x7b: {  	s28 =	simm.s32 $0x4;
	s29 =	simm.s32 $0x500;
	[tilespmem:s24+$0xFFFFFEE0] =	vst v7;
	s26 =	simm.s32 $0x41B0;
	v4 =	vld [tilespmem:s25+$0x0]  }
.LBB2_2:
0x7c: {  	v5 =	vld [tilespmem:s29+$0x80];
	s28 =	sadd.s32 $0x4, s28;
	[tilespmem:s23+$0xFFFFFFF0] =	vst v0  }
0x7d: {  	v0 =	vld [tilespmem:s29+$0xFFFFFF80];
	p0 =	slt.u32 s28, $0x7C;
	[tilespmem:s24+$0x148] =	vst v3  }
0x7e: {  	[tilespmem:s24+$0xFFFFFFB8] =	vst v2;
	v2 =	vld [tilespmem:s25+$0x58]  }
0x7f: {  	v3 =	vld [tilespmem:s29+$0x0];
	[tilespmem:s23+$0xB8] =	vst v1;
	s23 =	smov.u32 s24  }
0x80: {  	s24 =	sadd.s32 $0x320, s24;
	v1 =	vld [tilespmem:s29+$0xFFFFFF00];
	[tilespmem:s23+$0x80] =	vst v4  }
0x81: {  	[tilespmem:s24+$0xC8] =	vst v5;
	v4 =	vld [tilespmem:s25+$0xFFFFFF70]  }
0x82: {  	[tilespmem:s24+$0xFFFFFF38] =	vst v0;
	v0 =	vld [tilespmem:s29+$0x90]  }
0x83: {  	v5 =	vld [tilespmem:s29+$0xFFFFFF90];
	[tilespmem:s23+$0x158] =	vst v2  }
0x84: {  	[tilespmem:s24+$0x0] =	vst v3;
	v2 =	vld [tilespmem:s25+$0x68]  }
0x85: {  	[tilespmem:s24+$0xFFFFFE70] =	vst v1;
	v1 =	vld [tilespmem:s29+$0x10]  }
0x86: {  	v3 =	vld [tilespmem:s29+$0xFFFFFF10];
	[tilespmem:s23+$0xFFFFFEF0] =	vst v4  }
0x87: {  	[tilespmem:s24+$0xD8] =	vst v0;
	v0 =	vld [tilespmem:s25+$0xFFFFFF80]  }
0x88: {  	[tilespmem:s24+$0xFFFFFF48] =	vst v5;
	v4 =	vld [tilespmem:s29+$0xA0]  }
0x89: {  	v5 =	vld [tilespmem:s29+$0xFFFFFFA0];
	[tilespmem:s23+$0x168] =	vst v2  }
0x8a: {  	[tilespmem:s24+$0x10] =	vst v1;
	v1 =	vld [tilespmem:s25+$0x78]  }
0x8b: {  	[tilespmem:s24+$0xFFFFFE80] =	vst v3;
	v2 =	vld [tilespmem:s29+$0x20]  }
0x8c: {  	v3 =	vld [tilespmem:s29+$0xFFFFFF20];
	[tilespmem:s23+$0xFFFFFF00] =	vst v0  }
0x8d: {  	[tilespmem:s24+$0xE8] =	vst v4;
	v0 =	vld [tilespmem:s25+$0xFFFFFFC8]  }
0x8e: {  	[tilespmem:s24+$0xFFFFFF58] =	vst v5;
	v4 =	vld [tilespmem:s29+$0xB0]  }
0x8f: {  	v5 =	vld [tilespmem:s29+$0xFFFFFFB0];
	[tilespmem:s23+$0x178] =	vst v1  }
0x90: {  	[tilespmem:s24+$0x20] =	vst v2;
	v1 =	vld [tilespmem:s25+$0x80]  }
0x91: {  	[tilespmem:s24+$0xFFFFFE90] =	vst v3;
	v2 =	vld [tilespmem:s29+$0x30]  }
0x92: {  	v3 =	vld [tilespmem:s29+$0xFFFFFF30];
	[tilespmem:s23+$0xFFFFFFC8] =	vst v0  }
0x93: {  	[tilespmem:s24+$0xF8] =	vst v4;
	v0 =	vld [tilespmem:s25+$0x10]  }
0x94: {  	[tilespmem:s24+$0xFFFFFF68] =	vst v5;
	v4 =	vld [tilespmem:s29+$0xC0]  }
0x95: {  	v5 =	vld [tilespmem:s29+$0xFFFFFFC0];
	[tilespmem:s23+$0x180] =	vst v1  }
0x96: {  	[tilespmem:s24+$0x30] =	vst v2;
	v1 =	vld [tilespmem:s25+$0xFFFFFF90]  }
0x97: {  	[tilespmem:s24+$0xFFFFFEA0] =	vst v3;
	v2 =	vld [tilespmem:s29+$0x40]  }
0x98: {  	v3 =	vld [tilespmem:s29+$0xFFFFFF40];
	[tilespmem:s23+$0x90] =	vst v0  }
0x99: {  	[tilespmem:s24+$0x108] =	vst v4;
	v0 =	vld [tilespmem:s25+$0xFFFFFFD8]  }
0x9a: {  	[tilespmem:s24+$0xFFFFFF78] =	vst v5;
	v4 =	vld [tilespmem:s29+$0xD0]  }
0x9b: {  	v5 =	vld [tilespmem:s29+$0xFFFFFFD0];
	[tilespmem:s23+$0xFFFFFF10] =	vst v1  }
0x9c: {  	[tilespmem:s24+$0x40] =	vst v2;
	v1 =	vld [tilespmem:s25+$0x20]  }
0x9d: {  	[tilespmem:s24+$0xFFFFFEB0] =	vst v3;
	v2 =	vld [tilespmem:s29+$0x50]  }
0x9e: {  	v3 =	vld [tilespmem:s29+$0xFFFFFF50];
	[tilespmem:s23+$0xFFFFFFD8] =	vst v0  }
0x9f: {  	[tilespmem:s24+$0x118] =	vst v4;
	v0 =	vld [tilespmem:s25+$0xFFFFFFA0]  }
0xa0: {  	[tilespmem:s24+$0xFFFFFF88] =	vst v5;
	v4 =	vld [tilespmem:s29+$0xE0]  }
0xa1: {  	v5 =	vld [tilespmem:s29+$0xFFFFFFE0];
	[tilespmem:s23+$0xA0] =	vst v1  }
0xa2: {  	[tilespmem:s24+$0x50] =	vst v2;
	v1 =	vld [tilespmem:s25+$0xFFFFFFE8]  }
0xa3: {  	[tilespmem:s24+$0xFFFFFEC0] =	vst v3;
	v2 =	vld [tilespmem:s29+$0x60]  }
0xa4: {  	v3 =	vld [tilespmem:s29+$0xFFFFFF60];
	[tilespmem:s23+$0xFFFFFF20] =	vst v0  }
0xa5: {  	[tilespmem:s24+$0x128] =	vst v4;
	v0 =	vld [tilespmem:s25+$0x30]  }
0xa6: {  	[tilespmem:s24+$0xFFFFFF98] =	vst v5;
	v4 =	vld [tilespmem:s29+$0xF0]  }
0xa7: {  	v5 =	vld [tilespmem:s29+$0xFFFFFFF0];
	[tilespmem:s23+$0xFFFFFFE8] =	vst v1  }
0xa8: {  	[tilespmem:s24+$0x60] =	vst v2;
	v1 =	vld [tilespmem:s25+$0xFFFFFFA8]  }
0xa9: {  	[tilespmem:s24+$0xFFFFFED0] =	vst v3;
	v6 =	vld [tilespmem:s29+$0x70]  }
0xaa: {  	v7 =	vld [tilespmem:s29+$0xFFFFFF70];
	[tilespmem:s23+$0xB0] =	vst v0  }
.Ltmp2:
0xab: {  	s25 =	sadd.s32 $0x120, s25;
	[tilespmem:s24+$0x138] =	vst v4;
	v0 =	vld [tilespmem:s26+$0xFFFFFFF0];
	(pc) =	sbr.rel @p0 .LBB2_2-.Ltmp2, $4  }
0xac: {  	[tilespmem:s24+$0xFFFFFFA8] =	vst v5;
	v3 =	vld [tilespmem:s25+$0x48]  }
0xad: {  	v2 =	vld [tilespmem:s25+$0xFFFFFFB8];
	[tilespmem:s23+$0xFFFFFF28] =	vst v1  }
0xae: {  	[tilespmem:s24+$0x70] =	vst v6;
	v1 =	vld [tilespmem:s26+$0x38];
	s26 =	smov.u32 s25  }
0xaf: {  	s29 =	sadd.s32 $0x200, s29;
	[tilespmem:s24+$0xFFFFFEE0] =	vst v7;
	v4 =	vld [tilespmem:s25+$0x0]  }
0xb0: {  	v5 =	vld [tilespmem:s25+$0xFFFFFF70];
	_ =	sdelay $0x1  }
0xb1: {  	[tilespmem:s24+$0x148] =	vst v3  }
0xb2: {  	v3 =	vld [tilespmem:s25+$0x58];
	[tilespmem:s24+$0xFFFFFFB8] =	vst v2  }
0xb3: {  	v59 =	vld [tilespmem:s25+$0xFFFFFFC8];
	[tilespmem:s24+$0x80] =	vst v4  }
0xb4: {  	[tilespmem:s24+$0xFFFFFEF0] =	vst v5;
	v60 =	vld [tilespmem:s25+$0x10]  }
0xb5: {  	v58 =	vld [tilespmem:s25+$0xFFFFFF80];
	_ =	sdelay $0x1  }
0xb6: {  	[tilespmem:s24+$0x158] =	vst v3  }
0xb7: {  	v3 =	vld [tilespmem:s25+$0x68];
	[tilespmem:s24+$0xFFFFFFC8] =	vst v59  }
0xb8: {  	v4 =	vld [tilespmem:s25+$0xFFFFFFD8];
	[tilespmem:s24+$0x90] =	vst v60  }
0xb9: {  	[tilespmem:s24+$0xFFFFFF00] =	vst v58;
	v5 =	vld [tilespmem:s25+$0x20]  }
0xba: {  	v2 =	vld [tilespmem:s25+$0xFFFFFF90];
	_ =	sdelay $0x1  }
0xbb: {  	[tilespmem:s24+$0x168] =	vst v3  }
0xbc: {  	v3 =	vld [tilespmem:s25+$0x78];
	[tilespmem:s24+$0xFFFFFFD8] =	vst v4  }
0xbd: {  	v4 =	vld [tilespmem:s25+$0xFFFFFFE8];
	[tilespmem:s24+$0xA0] =	vst v5  }
0xbe: {  	[tilespmem:s24+$0xFFFFFF10] =	vst v2;
	v5 =	vld [tilespmem:s25+$0x30]  }
0xbf: {  	v2 =	vld [tilespmem:s25+$0xFFFFFFA0];
	_ =	sdelay $0x1  }
0xc0: {  	[tilespmem:s24+$0x178] =	vst v3  }
0xc1: {  	v61 =	vld [tilespmem:s25+$0x80];
	[tilespmem:s24+$0xFFFFFFE8] =	vst v4  }
0xc2: {  	v4 =	vld [tilespmem:s26+$0xFFFFFFF0];
	[tilespmem:s24+$0xB0] =	vst v5  }
0xc3: {  	[tilespmem:s24+$0xFFFFFF20] =	vst v2;
	v63 =	vld [tilespmem:s26+$0x38]  }
0xc4: {  	[tilespmem:s23+$0xFFFFFFF0] =	vst v0;
	v62 =	vld [tilespmem:s25+$0xFFFFFFA8]  }
0xc5: {  	[tilespmem:s23+$0xB8] =	vst v1  }
0xc6: {  	[tilespmem:s24+$0x180] =	vst v61  }
0xc7: {  	[tilespmem:s24+$0xFFFFFFF0] =	vst v4  }
0xc8: {  	[tilespmem:s24+$0xB8] =	vst v63  }
0xc9: {  	[tilespmem:s24+$0xFFFFFF28] =	vst v62  }
0xca: {  	[tilespmem:s13], [sflag:$0x1] =	stream.indirect.gather [hbm4b:s5+s11], $0x40, s12, s11, $0xb8;
	[tilespmem:$0x19000] =	vst v63  }
0xcb: {  	s23 =	simm.s32 $0x0  }
0xcc: {  	[tilespmem:s15], [sflag:$0x2] =	stream.indirect.gather [hbm4b:s5+s11], $0x40, s14, s11, $0xb8;
	[tilespmem:$0x19000] =	vst v63  }
.LBB2_4:
0xcd: {  	p0 =	seq.s32 s23, $0x0  }
0xce: {  	s24 =	simm.s32 @!p0 $0x3  }
0xcf: {  	_ =	swait.ge @!p0 [sflag:s24], $0x3200  }
0xd0: {  	[sflag:s24] =	ssyncset.done @!p0 $0x0  }
0xd1: {  	[sflag:s24] =	ssyncadd.s32 @!p0 $0xFFFFCE00  }
0xd2: {  	_ =	swait.ge [sflag:s16], $0x3200  }
0xd3: {  	[sflag:s16] =	ssyncset.done $0x0  }
0xd4: {  	s31 =	simm.s32 $0xC900;
	[sflag:s16] =	ssyncadd.s32 $0xFFFFCE00  }
0xd5: {  	v0 =	vld [tilespmem:s31+$0x80];
	_ =	sdelay $0x3  }
0xd6: {  	v1 =	vld [tilespmem:s31+$0xFFFFFF00]  }
0xd7: {  	v2 =	vld [tilespmem:s31+$0xFFFFFF80];
	v0 =	vmul.f32 $8.000000000e+00, v0  }
0xd8: {  	s24 =	simm.s32 $0x12D00;
	v3 =	vld [tilespmem:s31+$0x0]  }
0xd9: {  	[tilespmem:s24+$0x80] =	vst v0  }
0xda: {  	v0 =	vld [tilespmem:s31+$0x90]  }
0xdb: {  	v1 =	vmul.f32 $8.000000000e+00, v1  }
0xdc: {  	v2 =	vmul.f32 $8.000000000e+00, v2  }
0xdd: {  	v3 =	vmul.f32 $8.000000000e+00, v3;
	[tilespmem:s24+$0xFFFFFF00] =	vst v1  }
0xde: {  	[tilespmem:s24+$0xFFFFFF80] =	vst v2;
	v1 =	vld [tilespmem:s31+$0xFFFFFF10]  }
0xdf: {  	[tilespmem:s24+$0x0] =	vst v3;
	v2 =	vld [tilespmem:s31+$0xFFFFFF90];
	v0 =	vmul.f32 $8.000000000e+00, v0  }
0xe0: {  	v3 =	vld [tilespmem:s31+$0x10]  }
0xe1: {  	[tilespmem:s24+$0x90] =	vst v0  }
0xe2: {  	v0 =	vld [tilespmem:s31+$0xA0]  }
0xe3: {  	v1 =	vmul.f32 $8.000000000e+00, v1  }
0xe4: {  	v2 =	vmul.f32 $8.000000000e+00, v2  }
0xe5: {  	v3 =	vmul.f32 $8.000000000e+00, v3;
	[tilespmem:s24+$0xFFFFFF10] =	vst v1  }
0xe6: {  	[tilespmem:s24+$0xFFFFFF90] =	vst v2;
	v1 =	vld [tilespmem:s31+$0xFFFFFF20]  }
0xe7: {  	[tilespmem:s24+$0x10] =	vst v3;
	v2 =	vld [tilespmem:s31+$0xFFFFFFA0];
	v0 =	vmul.f32 $8.000000000e+00, v0  }
0xe8: {  	v3 =	vld [tilespmem:s31+$0x20]  }
0xe9: {  	[tilespmem:s24+$0xA0] =	vst v0  }
0xea: {  	v0 =	vld [tilespmem:s31+$0xB0]  }
0xeb: {  	v1 =	vmul.f32 $8.000000000e+00, v1  }
0xec: {  	v2 =	vmul.f32 $8.000000000e+00, v2  }
0xed: {  	v3 =	vmul.f32 $8.000000000e+00, v3;
	[tilespmem:s24+$0xFFFFFF20] =	vst v1  }
0xee: {  	[tilespmem:s24+$0xFFFFFFA0] =	vst v2;
	v1 =	vld [tilespmem:s31+$0xFFFFFF30]  }
0xef: {  	[tilespmem:s24+$0x20] =	vst v3;
	v2 =	vld [tilespmem:s31+$0xFFFFFFB0];
	v0 =	vmul.f32 $8.000000000e+00, v0  }
0xf0: {  	s25 =	simm.s32 $0xCB00;
	v3 =	vld [tilespmem:s31+$0x30]  }
0xf1: {  	[tilespmem:s24+$0xB0] =	vst v0;
	v0 =	vld [tilespmem:s25+$0x80]  }
0xf2: {  	v4 =	vld [tilespmem:s31+$0xC0]  }
0xf3: {  	v5 =	vld [tilespmem:s25+$0xFFFFFF80];
	v1 =	vmul.f32 $8.000000000e+00, v1  }
0xf4: {  	v6 =	vld [tilespmem:s25+$0x0];
	v2 =	vmul.f32 $8.000000000e+00, v2  }
0xf5: {  	v3 =	vmul.f32 $8.000000000e+00, v3;
	[tilespmem:s24+$0xFFFFFF30] =	vst v1;
	v1 =	vld [tilespmem:s25+$0xFFFFFF00]  }
0xf6: {  	[tilespmem:s24+$0xFFFFFFB0] =	vst v2;
	v2 =	vld [tilespmem:s31+$0xFFFFFF40];
	v0 =	vmul.f32 $8.000000000e+00, v0  }
0xf7: {  	s26 =	simm.s32 $0x12F00;
	[tilespmem:s24+$0x30] =	vst v3;
	v3 =	vld [tilespmem:s31+$0xFFFFFFC0];
	v4 =	vmul.f32 $8.000000000e+00, v4  }
0xf8: {  	v5 =	vmul.f32 $8.000000000e+00, v5;
	[tilespmem:s26+$0x80] =	vst v0;
	v0 =	vld [tilespmem:s31+$0x40]  }
0xf9: {  	v6 =	vmul.f32 $8.000000000e+00, v6;
	v7 =	vld [tilespmem:s25+$0x90];
	[tilespmem:s24+$0xC0] =	vst v4  }
0xfa: {  	[tilespmem:s26+$0xFFFFFF80] =	vst v5;
	v1 =	vmul.f32 $8.000000000e+00, v1;
	v4 =	vld [tilespmem:s31+$0xD0]  }
0xfb: {  	[tilespmem:s26+$0x0] =	vst v6;
	v5 =	vld [tilespmem:s25+$0xFFFFFF90];
	v2 =	vmul.f32 $8.000000000e+00, v2  }
0xfc: {  	v3 =	vmul.f32 $8.000000000e+00, v3;
	[tilespmem:s26+$0xFFFFFF00] =	vst v1;
	v1 =	vld [tilespmem:s25+$0x10]  }
0xfd: {  	v6 =	vld [tilespmem:s25+$0xFFFFFF10];
	[tilespmem:s24+$0xFFFFFF40] =	vst v2;
	v0 =	vmul.f32 $8.000000000e+00, v0  }
0xfe: {  	[tilespmem:s24+$0xFFFFFFC0] =	vst v3;
	v2 =	vmul.f32 $8.000000000e+00, v7;
	v7 =	vld [tilespmem:s31+$0xFFFFFF50]  }
0xff: {  	v3 =	vld [tilespmem:s31+$0xFFFFFFD0];
	[tilespmem:s24+$0x40] =	vst v0;
	v0 =	vmul.f32 $8.000000000e+00, v4  }
0x100: {  	v4 =	vmul.f32 $8.000000000e+00, v5;
	[tilespmem:s26+$0x90] =	vst v2;
	v2 =	vld [tilespmem:s31+$0x50]  }
0x101: {  	v1 =	vmul.f32 $8.000000000e+00, v1;
	v5 =	vld [tilespmem:s25+$0xA0];
	[tilespmem:s24+$0xD0] =	vst v0  }
0x102: {  	v0 =	vmul.f32 $8.000000000e+00, v6;
	[tilespmem:s26+$0xFFFFFF90] =	vst v4;
	v4 =	vld [tilespmem:s31+$0xE0]  }
0x103: {  	[tilespmem:s26+$0x10] =	vst v1;
	v6 =	vld [tilespmem:s25+$0xFFFFFFA0];
	v1 =	vmul.f32 $8.000000000e+00, v7  }
0x104: {  	v3 =	vmul.f32 $8.000000000e+00, v3;
	[tilespmem:s26+$0xFFFFFF10] =	vst v0;
	v0 =	vld [tilespmem:s25+$0x20]  }
0x105: {  	v7 =	vld [tilespmem:s25+$0xFFFFFF20];
	[tilespmem:s24+$0xFFFFFF50] =	vst v1;
	v1 =	vmul.f32 $8.000000000e+00, v2  }
0x106: {  	[tilespmem:s24+$0xFFFFFFD0] =	vst v3;
	v2 =	vmul.f32 $8.000000000e+00, v5;
	v5 =	vld [tilespmem:s31+$0xFFFFFF60]  }
0x107: {  	v3 =	vld [tilespmem:s31+$0xFFFFFFE0];
	[tilespmem:s24+$0x50] =	vst v1;
	v1 =	vmul.f32 $8.000000000e+00, v4  }
0x108: {  	v4 =	vmul.f32 $8.000000000e+00, v6;
	[tilespmem:s26+$0xA0] =	vst v2;
	v2 =	vld [tilespmem:s31+$0x60]  }
0x109: {  	v0 =	vmul.f32 $8.000000000e+00, v0;
	v6 =	vld [tilespmem:s25+$0xB0];
	[tilespmem:s24+$0xE0] =	vst v1  }
0x10a: {  	v1 =	vmul.f32 $8.000000000e+00, v7;
	[tilespmem:s26+$0xFFFFFFA0] =	vst v4;
	v7 =	vld [tilespmem:s31+$0xF0]  }
0x10b: {  	v8 =	vld [tilespmem:s25+$0xFFFFFFB0];
	[tilespmem:s26+$0x20] =	vst v0;
	v0 =	vmul.f32 $8.000000000e+00, v5  }
0x10c: {  	v3 =	vmul.f32 $8.000000000e+00, v3;
	[tilespmem:s26+$0xFFFFFF20] =	vst v1;
	v4 =	vld [tilespmem:s25+$0x30]  }
0x10d: {  	v5 =	vld [tilespmem:s25+$0xFFFFFF30];
	[tilespmem:s24+$0xFFFFFF60] =	vst v0;
	v2 =	vmul.f32 $8.000000000e+00, v2  }
0x10e: {  	[tilespmem:s24+$0xFFFFFFE0] =	vst v3;
	v9 =	vmul.f32 $8.000000000e+00, v6;
	v1 =	vld [tilespmem:s31+$0xFFFFFF70]  }
0x10f: {  	v0 =	vld [tilespmem:s31+$0xFFFFFFF0];
	[tilespmem:s24+$0x60] =	vst v2;
	v3 =	vmul.f32 $8.000000000e+00, v7  }
0x110: {  	s28 =	sshll.u32 s23, $0x1;
	s29 =	simm.s32 $0x4;
	s30 =	simm.s32 $0xCD00;
	v6 =	vmul.f32 $8.000000000e+00, v8;
	[tilespmem:s26+$0xB0] =	vst v9;
	v2 =	vld [tilespmem:s31+$0x70]  }
.LBB2_5:
0x111: {  	v7 =	vld [tilespmem:s30+$0x80];
	v4 =	vmul.f32 $8.000000000e+00, v4;
	[tilespmem:s24+$0xF0] =	vst v3  }
0x112: {  	s29 =	sadd.s32 $0x4, s29;
	v3 =	vmul.f32 $8.000000000e+00, v5;
	[tilespmem:s26+$0xFFFFFFB0] =	vst v6;
	v5 =	vld [tilespmem:s25+$0xC0]  }
0x113: {  	p0 =	slt.u32 s29, $0x60;
	v6 =	vld [tilespmem:s30+$0xFFFFFF80];
	[tilespmem:s26+$0x30] =	vst v4;
	v1 =	vmul.f32 $8.000000000e+00, v1  }
0x114: {  	v4 =	vld [tilespmem:s30+$0x0];
	[tilespmem:s26+$0xFFFFFF30] =	vst v3;
	v0 =	vmul.f32 $8.000000000e+00, v0  }
0x115: {  	v3 =	vld [tilespmem:s30+$0xFFFFFF00];
	[tilespmem:s24+$0xFFFFFF70] =	vst v1;
	v1 =	vmul.f32 $8.000000000e+00, v2  }
0x116: {  	v2 =	vmul.f32 $8.000000000e+00, v7;
	v7 =	vld [tilespmem:s25+$0xFFFFFF40];
	[tilespmem:s24+$0xFFFFFFF0] =	vst v0  }
0x117: {  	v0 =	vld [tilespmem:s25+$0xFFFFFFC0];
	v5 =	vmul.f32 $8.000000000e+00, v5;
	[tilespmem:s24+$0x70] =	vst v1;
	s24 =	smov.u32 s26;
	s26 =	sadd.s32 $0x200, s26  }
0x118: {  	v1 =	vmul.f32 $8.000000000e+00, v6;
	[tilespmem:s26+$0x80] =	vst v2;
	v2 =	vld [tilespmem:s25+$0x40]  }
0x119: {  	v4 =	vmul.f32 $8.000000000e+00, v4;
	v6 =	vld [tilespmem:s30+$0x90];
	[tilespmem:s24+$0xC0] =	vst v5  }
0x11a: {  	v3 =	vmul.f32 $8.000000000e+00, v3;
	[tilespmem:s26+$0xFFFFFF80] =	vst v1;
	v1 =	vld [tilespmem:s25+$0xD0]  }
0x11b: {  	v5 =	vld [tilespmem:s30+$0xFFFFFF90];
	[tilespmem:s26+$0x0] =	vst v4;
	v4 =	vmul.f32 $8.000000000e+00, v7  }
0x11c: {  	[tilespmem:s26+$0xFFFFFF00] =	vst v3;
	v3 =	vld [tilespmem:s30+$0x10];
	v0 =	vmul.f32 $8.000000000e+00, v0  }
0x11d: {  	v7 =	vld [tilespmem:s30+$0xFFFFFF10];
	[tilespmem:s24+$0xFFFFFF40] =	vst v4;
	v2 =	vmul.f32 $8.000000000e+00, v2  }
0x11e: {  	v4 =	vmul.f32 $8.000000000e+00, v6;
	v6 =	vld [tilespmem:s25+$0xFFFFFF50];
	[tilespmem:s24+$0xFFFFFFC0] =	vst v0  }
0x11f: {  	v0 =	vld [tilespmem:s25+$0xFFFFFFD0];
	[tilespmem:s24+$0x40] =	vst v2;
	v1 =	vmul.f32 $8.000000000e+00, v1  }
0x120: {  	v2 =	vmul.f32 $8.000000000e+00, v5;
	[tilespmem:s26+$0x90] =	vst v4;
	v4 =	vld [tilespmem:s25+$0x50]  }
0x121: {  	v3 =	vmul.f32 $8.000000000e+00, v3;
	v5 =	vld [tilespmem:s30+$0xA0];
	[tilespmem:s24+$0xD0] =	vst v1  }
0x122: {  	v1 =	vmul.f32 $8.000000000e+00, v7;
	[tilespmem:s26+$0xFFFFFF90] =	vst v2;
	v2 =	vld [tilespmem:s25+$0xE0]  }
0x123: {  	v7 =	vld [tilespmem:s30+$0xFFFFFFA0];
	[tilespmem:s26+$0x10] =	vst v3;
	v3 =	vmul.f32 $8.000000000e+00, v6  }
0x124: {  	[tilespmem:s26+$0xFFFFFF10] =	vst v1;
	v1 =	vld [tilespmem:s30+$0x20];
	v0 =	vmul.f32 $8.000000000e+00, v0  }
0x125: {  	v6 =	vld [tilespmem:s30+$0xFFFFFF20];
	[tilespmem:s24+$0xFFFFFF50] =	vst v3;
	v3 =	vmul.f32 $8.000000000e+00, v4  }
0x126: {  	v4 =	vmul.f32 $8.000000000e+00, v5;
	v5 =	vld [tilespmem:s25+$0xFFFFFF60];
	[tilespmem:s24+$0xFFFFFFD0] =	vst v0  }
0x127: {  	v0 =	vld [tilespmem:s25+$0xFFFFFFE0];
	[tilespmem:s24+$0x50] =	vst v3;
	v2 =	vmul.f32 $8.000000000e+00, v2  }
0x128: {  	v3 =	vmul.f32 $8.000000000e+00, v7;
	[tilespmem:s26+$0xA0] =	vst v4;
	v7 =	vld [tilespmem:s25+$0x60]  }
0x129: {  	v1 =	vmul.f32 $8.000000000e+00, v1;
	v8 =	vld [tilespmem:s30+$0xB0];
	[tilespmem:s24+$0xE0] =	vst v2  }
0x12a: {  	v2 =	vmul.f32 $8.000000000e+00, v6;
	[tilespmem:s26+$0xFFFFFFA0] =	vst v3;
	v3 =	vld [tilespmem:s25+$0xF0]  }
0x12b: {  	v6 =	vld [tilespmem:s30+$0xFFFFFFB0];
	[tilespmem:s26+$0x20] =	vst v1;
	v1 =	vmul.f32 $8.000000000e+00, v5  }
.Ltmp3:
0x12c: {  	[tilespmem:s26+$0xFFFFFF20] =	vst v2;
	v4 =	vld [tilespmem:s30+$0x30];
	v0 =	vmul.f32 $8.000000000e+00, v0;
	(pc) =	sbr.rel @p0 .LBB2_5-.Ltmp3, $4  }
0x12d: {  	v5 =	vld [tilespmem:s30+$0xFFFFFF30];
	[tilespmem:s24+$0xFFFFFF60] =	vst v1;
	v2 =	vmul.f32 $8.000000000e+00, v7  }
0x12e: {  	v7 =	vmul.f32 $8.000000000e+00, v8;
	v1 =	vld [tilespmem:s25+$0xFFFFFF70];
	[tilespmem:s24+$0xFFFFFFE0] =	vst v0  }
0x12f: {  	v0 =	vld [tilespmem:s25+$0xFFFFFFF0];
	[tilespmem:s24+$0x60] =	vst v2;
	v3 =	vmul.f32 $8.000000000e+00, v3  }
0x130: {  	v6 =	vmul.f32 $8.000000000e+00, v6;
	[tilespmem:s26+$0xB0] =	vst v7;
	v2 =	vld [tilespmem:s25+$0x70];
	s25 =	smov.u32 s30;
	s30 =	sadd.s32 $0x200, s30  }
0x131: {  	v4 =	vmul.f32 $8.000000000e+00, v4  }
0x132: {  	v7 =	vld [tilespmem:s25+$0xC0];
	v5 =	vmul.f32 $8.000000000e+00, v5;
	[tilespmem:s26+$0xFFFFFFB0] =	vst v6  }
0x133: {  	[tilespmem:s26+$0x30] =	vst v4;
	v51 =	vld [tilespmem:s25+$0xFFFFFFC0]  }
0x134: {  	[tilespmem:s26+$0xFFFFFF30] =	vst v5;
	v52 =	vld [tilespmem:s25+$0x40]  }
0x135: {  	v5 =	vld [tilespmem:s25+$0xFFFFFF40];
	_ =	sdelay $0x1  }
0x136: {  	v7 =	vmul.f32 $8.000000000e+00, v7  }
0x137: {  	v4 =	vmul.f32 $8.000000000e+00, v51  }
0x138: {  	[tilespmem:s26+$0xC0] =	vst v7;
	v53 =	vmul.f32 $8.000000000e+00, v52  }
0x139: {  	v7 =	vld [tilespmem:s25+$0xD0];
	v5 =	vmul.f32 $8.000000000e+00, v5;
	[tilespmem:s26+$0xFFFFFFC0] =	vst v4  }
0x13a: {  	v4 =	vld [tilespmem:s25+$0xFFFFFFD0];
	[tilespmem:s26+$0x40] =	vst v53  }
0x13b: {  	[tilespmem:s26+$0xFFFFFF40] =	vst v5;
	v5 =	vld [tilespmem:s25+$0x50]  }
0x13c: {  	v54 =	vld [tilespmem:s25+$0xFFFFFF50];
	_ =	sdelay $0x1  }
0x13d: {  	v7 =	vmul.f32 $8.000000000e+00, v7  }
0x13e: {  	v4 =	vmul.f32 $8.000000000e+00, v4  }
0x13f: {  	[tilespmem:s26+$0xD0] =	vst v7;
	v5 =	vmul.f32 $8.000000000e+00, v5  }
0x140: {  	v7 =	vld [tilespmem:s25+$0xE0];
	v6 =	vmul.f32 $8.000000000e+00, v54;
	[tilespmem:s26+$0xFFFFFFD0] =	vst v4  }
0x141: {  	v4 =	vld [tilespmem:s25+$0xFFFFFFE0];
	[tilespmem:s26+$0x50] =	vst v5  }
0x142: {  	[tilespmem:s26+$0xFFFFFF50] =	vst v6;
	v5 =	vld [tilespmem:s25+$0x60]  }
0x143: {  	v6 =	vld [tilespmem:s25+$0xFFFFFF60];
	_ =	sdelay $0x1  }
0x144: {  	v7 =	vmul.f32 $8.000000000e+00, v7  }
0x145: {  	v4 =	vmul.f32 $8.000000000e+00, v4  }
0x146: {  	[tilespmem:s26+$0xE0] =	vst v7;
	v5 =	vmul.f32 $8.000000000e+00, v5  }
0x147: {  	v55 =	vld [tilespmem:s25+$0xF0];
	v6 =	vmul.f32 $8.000000000e+00, v6;
	[tilespmem:s26+$0xFFFFFFE0] =	vst v4  }
0x148: {  	[tilespmem:s26+$0x60] =	vst v5;
	v57 =	vld [tilespmem:s25+$0xFFFFFFF0]  }
0x149: {  	v1 =	vmul.f32 $8.000000000e+00, v1;
	[tilespmem:s26+$0xFFFFFF60] =	vst v6;
	v58 =	vld [tilespmem:s25+$0x70]  }
0x14a: {  	[tilespmem:s24+$0xF0] =	vst v3;
	v0 =	vmul.f32 $8.000000000e+00, v0;
	v56 =	vld [tilespmem:s25+$0xFFFFFF70]  }
0x14b: {  	[tilespmem:s24+$0xFFFFFF70] =	vst v1;
	v59 =	vmul.f32 $8.000000000e+00, v2  }
0x14c: {  	[tilespmem:s24+$0xFFFFFFF0] =	vst v0;
	v60 =	vmul.f32 $8.000000000e+00, v55  }
0x14d: {  	[tilespmem:s24+$0x70] =	vst v59;
	v62 =	vmul.f32 $8.000000000e+00, v57  }
0x14e: {  	s31 =	sadd.s32 s4, s28;
	[tilespmem:s26+$0xF0] =	vst v60;
	v63 =	vmul.f32 $8.000000000e+00, v58  }
0x14f: {  	p0 =	seq.s32 s23, $0x3F;
	s24 =	smul.u32 $0x640, s31;
	v61 =	vmul.f32 $8.000000000e+00, v56;
	[tilespmem:s26+$0xFFFFFFF0] =	vst v62  }
0x150: {  	p1 =	seq.s32 @!p0 s23, $0x0;
	[tilespmem:s26+$0x70] =	vst v63  }
0x151: {  	p1 =	por p0, !p1;
	s24 =	sadd.s32 s2, s24;
	s25 =	smul.u32 @!p0 $0x640, s23;
	[tilespmem:s26+$0xFFFFFF70] =	vst v61  }
0x152: {  	[hbm4b:s24+s3] =	stream.linear.scatter [tilespmem:s17], [sflag:$0x3], $0x3200, $0x38;
	[tilespmem:$0x19000] =	vst v63  }
.Ltmp4:
0x153: {  	_ = 	snop;
	(pc) =	sbr.rel @!p1 .LBB2_8-.Ltmp4, $4  }
0x154: {  	s24 =	sshra.s32 @!p0 s25, $0x2  }
0x155: {  	s26 =	simm.s32 @!p0 $0xC800;
	s25 =	simm.s32 @!p0 $0xC8;
	s24 =	sadd.s32 @!p0 $0x6590, s24  }
0x156: {  	[tilespmem:s26], [sflag:$0x1] =	stream.indirect.gather @!p0 [hbm4b:s5+s25], $0x40, s24, s25, $0xb8;
	[tilespmem:$0x19000] =	vst v63  }
0x157: {  	s24 =	sor.u32 @!p0 $0x1, s28  }
0x158: {  	_ =	swait.ge [sflag:s21], $0x3200  }
0x159: {  	[sflag:s21] =	ssyncset.done $0x0  }
0x15a: {  	s24 =	simm.s32 @p0 $0x7F;
	[sflag:s21] =	ssyncadd.s32 $0xFFFFCE00  }
.LBB2_8:
0x15b: {  	_ =	swait.ge [sflag:s18], $0x3200  }
0x15c: {  	[sflag:s18] =	ssyncset.done $0x0  }
0x15d: {  	s31 =	simm.s32 $0xFBF0;
	[sflag:s18] =	ssyncadd.s32 $0xFFFFCE00  }
0x15e: {  	v0 =	vld [tilespmem:s31+$0xFFFFFF90];
	_ =	sdelay $0x3  }
0x15f: {  	v1 =	vld [tilespmem:s31+$0xFFFFFE10]  }
0x160: {  	v2 =	vld [tilespmem:s31+$0xFFFFFE90];
	v0 =	vmul.f32 $8.000000000e+00, v0  }
0x161: {  	s25 =	simm.s32 $0x15FF0;
	v3 =	vld [tilespmem:s31+$0xFFFFFF10]  }
0x162: {  	[tilespmem:s25+$0xFFFFFF90] =	vst v0  }
0x163: {  	v0 =	vld [tilespmem:s31+$0xFFFFFFA0]  }
0x164: {  	v1 =	vmul.f32 $8.000000000e+00, v1  }
0x165: {  	v2 =	vmul.f32 $8.000000000e+00, v2  }
0x166: {  	v3 =	vmul.f32 $8.000000000e+00, v3;
	[tilespmem:s25+$0xFFFFFE10] =	vst v1  }
0x167: {  	[tilespmem:s25+$0xFFFFFE90] =	vst v2;
	v1 =	vld [tilespmem:s31+$0xFFFFFE20]  }
0x168: {  	[tilespmem:s25+$0xFFFFFF10] =	vst v3;
	v2 =	vld [tilespmem:s31+$0xFFFFFEA0];
	v0 =	vmul.f32 $8.000000000e+00, v0  }
0x169: {  	v3 =	vld [tilespmem:s31+$0xFFFFFF20]  }
0x16a: {  	[tilespmem:s25+$0xFFFFFFA0] =	vst v0  }
0x16b: {  	v0 =	vld [tilespmem:s31+$0xFFFFFFB0]  }
0x16c: {  	v1 =	vmul.f32 $8.000000000e+00, v1  }
0x16d: {  	v2 =	vmul.f32 $8.000000000e+00, v2  }
0x16e: {  	v3 =	vmul.f32 $8.000000000e+00, v3;
	[tilespmem:s25+$0xFFFFFE20] =	vst v1  }
0x16f: {  	[tilespmem:s25+$0xFFFFFEA0] =	vst v2;
	v1 =	vld [tilespmem:s31+$0xFFFFFE30]  }
0x170: {  	[tilespmem:s25+$0xFFFFFF20] =	vst v3;
	v2 =	vld [tilespmem:s31+$0xFFFFFEB0];
	v0 =	vmul.f32 $8.000000000e+00, v0  }
0x171: {  	v3 =	vld [tilespmem:s31+$0xFFFFFF30]  }
0x172: {  	[tilespmem:s25+$0xFFFFFFB0] =	vst v0  }
0x173: {  	v0 =	vld [tilespmem:s31+$0xFFFFFFC0]  }
0x174: {  	v1 =	vmul.f32 $8.000000000e+00, v1  }
0x175: {  	v2 =	vmul.f32 $8.000000000e+00, v2  }
0x176: {  	v3 =	vmul.f32 $8.000000000e+00, v3;
	[tilespmem:s25+$0xFFFFFE30] =	vst v1  }
0x177: {  	[tilespmem:s25+$0xFFFFFEB0] =	vst v2;
	v1 =	vld [tilespmem:s31+$0xFFFFFE40]  }
0x178: {  	[tilespmem:s25+$0xFFFFFF30] =	vst v3;
	v2 =	vld [tilespmem:s31+$0xFFFFFEC0];
	v0 =	vmul.f32 $8.000000000e+00, v0  }
0x179: {  	s26 =	simm.s32 $0xFDF0;
	v3 =	vld [tilespmem:s31+$0xFFFFFF40]  }
0x17a: {  	[tilespmem:s25+$0xFFFFFFC0] =	vst v0;
	v0 =	vld [tilespmem:s26+$0xFFFFFF90]  }
0x17b: {  	v4 =	vld [tilespmem:s31+$0xFFFFFFD0]  }
0x17c: {  	v5 =	vld [tilespmem:s26+$0xFFFFFE90];
	v1 =	vmul.f32 $8.000000000e+00, v1  }
0x17d: {  	v6 =	vld [tilespmem:s26+$0xFFFFFF10];
	v2 =	vmul.f32 $8.000000000e+00, v2  }
0x17e: {  	v3 =	vmul.f32 $8.000000000e+00, v3;
	[tilespmem:s25+$0xFFFFFE40] =	vst v1;
	v1 =	vld [tilespmem:s26+$0xFFFFFE10]  }
0x17f: {  	[tilespmem:s25+$0xFFFFFEC0] =	vst v2;
	v2 =	vld [tilespmem:s31+$0xFFFFFE50];
	v0 =	vmul.f32 $8.000000000e+00, v0  }
0x180: {  	s28 =	simm.s32 $0x161F0;
	[tilespmem:s25+$0xFFFFFF40] =	vst v3;
	v3 =	vld [tilespmem:s31+$0xFFFFFED0];
	v4 =	vmul.f32 $8.000000000e+00, v4  }
0x181: {  	v5 =	vmul.f32 $8.000000000e+00, v5;
	[tilespmem:s28+$0xFFFFFF90] =	vst v0;
	v0 =	vld [tilespmem:s31+$0xFFFFFF50]  }
0x182: {  	v6 =	vmul.f32 $8.000000000e+00, v6;
	v7 =	vld [tilespmem:s26+$0xFFFFFFA0];
	[tilespmem:s25+$0xFFFFFFD0] =	vst v4  }
0x183: {  	[tilespmem:s28+$0xFFFFFE90] =	vst v5;
	v1 =	vmul.f32 $8.000000000e+00, v1;
	v4 =	vld [tilespmem:s31+$0xFFFFFFE0]  }
0x184: {  	[tilespmem:s28+$0xFFFFFF10] =	vst v6;
	v5 =	vld [tilespmem:s26+$0xFFFFFEA0];
	v2 =	vmul.f32 $8.000000000e+00, v2  }
0x185: {  	v3 =	vmul.f32 $8.000000000e+00, v3;
	[tilespmem:s28+$0xFFFFFE10] =	vst v1;
	v1 =	vld [tilespmem:s26+$0xFFFFFF20]  }
0x186: {  	v6 =	vld [tilespmem:s26+$0xFFFFFE20];
	[tilespmem:s25+$0xFFFFFE50] =	vst v2;
	v0 =	vmul.f32 $8.000000000e+00, v0  }
0x187: {  	[tilespmem:s25+$0xFFFFFED0] =	vst v3;
	v2 =	vmul.f32 $8.000000000e+00, v7;
	v7 =	vld [tilespmem:s31+$0xFFFFFE60]  }
0x188: {  	v3 =	vld [tilespmem:s31+$0xFFFFFEE0];
	[tilespmem:s25+$0xFFFFFF50] =	vst v0;
	v0 =	vmul.f32 $8.000000000e+00, v4  }
0x189: {  	v4 =	vmul.f32 $8.000000000e+00, v5;
	[tilespmem:s28+$0xFFFFFFA0] =	vst v2;
	v2 =	vld [tilespmem:s31+$0xFFFFFF60]  }
0x18a: {  	v1 =	vmul.f32 $8.000000000e+00, v1;
	v5 =	vld [tilespmem:s26+$0xFFFFFFB0];
	[tilespmem:s25+$0xFFFFFFE0] =	vst v0  }
0x18b: {  	v0 =	vmul.f32 $8.000000000e+00, v6;
	[tilespmem:s28+$0xFFFFFEA0] =	vst v4;
	v4 =	vld [tilespmem:s31+$0xFFFFFFF0]  }
0x18c: {  	[tilespmem:s28+$0xFFFFFF20] =	vst v1;
	v6 =	vld [tilespmem:s26+$0xFFFFFEB0];
	v1 =	vmul.f32 $8.000000000e+00, v7  }
0x18d: {  	v3 =	vmul.f32 $8.000000000e+00, v3;
	[tilespmem:s28+$0xFFFFFE20] =	vst v0;
	v0 =	vld [tilespmem:s26+$0xFFFFFF30]  }
0x18e: {  	v7 =	vld [tilespmem:s26+$0xFFFFFE30];
	[tilespmem:s25+$0xFFFFFE60] =	vst v1;
	v1 =	vmul.f32 $8.000000000e+00, v2  }
0x18f: {  	[tilespmem:s25+$0xFFFFFEE0] =	vst v3;
	v2 =	vmul.f32 $8.000000000e+00, v5;
	v5 =	vld [tilespmem:s31+$0xFFFFFE70]  }
0x190: {  	v3 =	vld [tilespmem:s31+$0xFFFFFEF0];
	[tilespmem:s25+$0xFFFFFF60] =	vst v1;
	v1 =	vmul.f32 $8.000000000e+00, v4  }
0x191: {  	v4 =	vmul.f32 $8.000000000e+00, v6;
	[tilespmem:s28+$0xFFFFFFB0] =	vst v2;
	v2 =	vld [tilespmem:s31+$0xFFFFFF70]  }
0x192: {  	v0 =	vmul.f32 $8.000000000e+00, v0;
	v6 =	vld [tilespmem:s26+$0xFFFFFFC0];
	[tilespmem:s25+$0xFFFFFFF0] =	vst v1  }
0x193: {  	v1 =	vmul.f32 $8.000000000e+00, v7;
	[tilespmem:s28+$0xFFFFFEB0] =	vst v4;
	v7 =	vld [tilespmem:s31+$0x0]  }
0x194: {  	v8 =	vld [tilespmem:s26+$0xFFFFFEC0];
	[tilespmem:s28+$0xFFFFFF30] =	vst v0;
	v0 =	vmul.f32 $8.000000000e+00, v5  }
0x195: {  	v3 =	vmul.f32 $8.000000000e+00, v3;
	[tilespmem:s28+$0xFFFFFE30] =	vst v1;
	v4 =	vld [tilespmem:s26+$0xFFFFFF40]  }
0x196: {  	v5 =	vld [tilespmem:s26+$0xFFFFFE40];
	[tilespmem:s25+$0xFFFFFE70] =	vst v0;
	v2 =	vmul.f32 $8.000000000e+00, v2  }
0x197: {  	[tilespmem:s25+$0xFFFFFEF0] =	vst v3;
	v9 =	vmul.f32 $8.000000000e+00, v6;
	v1 =	vld [tilespmem:s31+$0xFFFFFE80]  }
0x198: {  	v0 =	vld [tilespmem:s31+$0xFFFFFF00];
	[tilespmem:s25+$0xFFFFFF70] =	vst v2;
	v3 =	vmul.f32 $8.000000000e+00, v7  }
0x199: {  	s29 =	simm.s32 $0x4;
	s30 =	simm.s32 $0xFFF0;
	v6 =	vmul.f32 $8.000000000e+00, v8;
	[tilespmem:s28+$0xFFFFFFC0] =	vst v9;
	v2 =	vld [tilespmem:s31+$0xFFFFFF80]  }
.LBB2_9:
0x19a: {  	v7 =	vld [tilespmem:s30+$0xFFFFFF90];
	v4 =	vmul.f32 $8.000000000e+00, v4;
	[tilespmem:s25+$0x0] =	vst v3  }
0x19b: {  	s29 =	sadd.s32 $0x4, s29;
	v3 =	vmul.f32 $8.000000000e+00, v5;
	[tilespmem:s28+$0xFFFFFEC0] =	vst v6;
	v5 =	vld [tilespmem:s26+$0xFFFFFFD0]  }
0x19c: {  	p1 =	slt.u32 s29, $0x60;
	v6 =	vld [tilespmem:s30+$0xFFFFFE90];
	[tilespmem:s28+$0xFFFFFF40] =	vst v4;
	v1 =	vmul.f32 $8.000000000e+00, v1  }
0x19d: {  	v4 =	vld [tilespmem:s30+$0xFFFFFF10];
	[tilespmem:s28+$0xFFFFFE40] =	vst v3;
	v0 =	vmul.f32 $8.000000000e+00, v0  }
0x19e: {  	v3 =	vld [tilespmem:s30+$0xFFFFFE10];
	[tilespmem:s25+$0xFFFFFE80] =	vst v1;
	v1 =	vmul.f32 $8.000000000e+00, v2  }
0x19f: {  	v2 =	vmul.f32 $8.000000000e+00, v7;
	v7 =	vld [tilespmem:s26+$0xFFFFFE50];
	[tilespmem:s25+$0xFFFFFF00] =	vst v0  }
0x1a0: {  	v0 =	vld [tilespmem:s26+$0xFFFFFED0];
	v5 =	vmul.f32 $8.000000000e+00, v5;
	[tilespmem:s25+$0xFFFFFF80] =	vst v1;
	s25 =	smov.u32 s28;
	s28 =	sadd.s32 $0x200, s28  }
0x1a1: {  	v1 =	vmul.f32 $8.000000000e+00, v6;
	[tilespmem:s28+$0xFFFFFF90] =	vst v2;
	v2 =	vld [tilespmem:s26+$0xFFFFFF50]  }
0x1a2: {  	v4 =	vmul.f32 $8.000000000e+00, v4;
	v6 =	vld [tilespmem:s30+$0xFFFFFFA0];
	[tilespmem:s25+$0xFFFFFFD0] =	vst v5  }
0x1a3: {  	v3 =	vmul.f32 $8.000000000e+00, v3;
	[tilespmem:s28+$0xFFFFFE90] =	vst v1;
	v1 =	vld [tilespmem:s26+$0xFFFFFFE0]  }
0x1a4: {  	v5 =	vld [tilespmem:s30+$0xFFFFFEA0];
	[tilespmem:s28+$0xFFFFFF10] =	vst v4;
	v4 =	vmul.f32 $8.000000000e+00, v7  }
0x1a5: {  	[tilespmem:s28+$0xFFFFFE10] =	vst v3;
	v3 =	vld [tilespmem:s30+$0xFFFFFF20];
	v0 =	vmul.f32 $8.000000000e+00, v0  }
0x1a6: {  	v7 =	vld [tilespmem:s30+$0xFFFFFE20];
	[tilespmem:s25+$0xFFFFFE50] =	vst v4;
	v2 =	vmul.f32 $8.000000000e+00, v2  }
0x1a7: {  	v4 =	vmul.f32 $8.000000000e+00, v6;
	v6 =	vld [tilespmem:s26+$0xFFFFFE60];
	[tilespmem:s25+$0xFFFFFED0] =	vst v0  }
0x1a8: {  	v0 =	vld [tilespmem:s26+$0xFFFFFEE0];
	[tilespmem:s25+$0xFFFFFF50] =	vst v2;
	v1 =	vmul.f32 $8.000000000e+00, v1  }
0x1a9: {  	v2 =	vmul.f32 $8.000000000e+00, v5;
	[tilespmem:s28+$0xFFFFFFA0] =	vst v4;
	v4 =	vld [tilespmem:s26+$0xFFFFFF60]  }
0x1aa: {  	v3 =	vmul.f32 $8.000000000e+00, v3;
	v5 =	vld [tilespmem:s30+$0xFFFFFFB0];
	[tilespmem:s25+$0xFFFFFFE0] =	vst v1  }
0x1ab: {  	v1 =	vmul.f32 $8.000000000e+00, v7;
	[tilespmem:s28+$0xFFFFFEA0] =	vst v2;
	v2 =	vld [tilespmem:s26+$0xFFFFFFF0]  }
0x1ac: {  	v7 =	vld [tilespmem:s30+$0xFFFFFEB0];
	[tilespmem:s28+$0xFFFFFF20] =	vst v3;
	v3 =	vmul.f32 $8.000000000e+00, v6  }
0x1ad: {  	[tilespmem:s28+$0xFFFFFE20] =	vst v1;
	v1 =	vld [tilespmem:s30+$0xFFFFFF30];
	v0 =	vmul.f32 $8.000000000e+00, v0  }
0x1ae: {  	v6 =	vld [tilespmem:s30+$0xFFFFFE30];
	[tilespmem:s25+$0xFFFFFE60] =	vst v3;
	v3 =	vmul.f32 $8.000000000e+00, v4  }
0x1af: {  	v4 =	vmul.f32 $8.000000000e+00, v5;
	v5 =	vld [tilespmem:s26+$0xFFFFFE70];
	[tilespmem:s25+$0xFFFFFEE0] =	vst v0  }
0x1b0: {  	v0 =	vld [tilespmem:s26+$0xFFFFFEF0];
	[tilespmem:s25+$0xFFFFFF60] =	vst v3;
	v2 =	vmul.f32 $8.000000000e+00, v2  }
0x1b1: {  	v3 =	vmul.f32 $8.000000000e+00, v7;
	[tilespmem:s28+$0xFFFFFFB0] =	vst v4;
	v7 =	vld [tilespmem:s26+$0xFFFFFF70]  }
0x1b2: {  	v1 =	vmul.f32 $8.000000000e+00, v1;
	v8 =	vld [tilespmem:s30+$0xFFFFFFC0];
	[tilespmem:s25+$0xFFFFFFF0] =	vst v2  }
0x1b3: {  	v2 =	vmul.f32 $8.000000000e+00, v6;
	[tilespmem:s28+$0xFFFFFEB0] =	vst v3;
	v3 =	vld [tilespmem:s26+$0x0]  }
0x1b4: {  	v6 =	vld [tilespmem:s30+$0xFFFFFEC0];
	[tilespmem:s28+$0xFFFFFF30] =	vst v1;
	v1 =	vmul.f32 $8.000000000e+00, v5  }
.Ltmp5:
0x1b5: {  	[tilespmem:s28+$0xFFFFFE30] =	vst v2;
	v4 =	vld [tilespmem:s30+$0xFFFFFF40];
	v0 =	vmul.f32 $8.000000000e+00, v0;
	(pc) =	sbr.rel @p1 .LBB2_9-.Ltmp5, $4  }
0x1b6: {  	v5 =	vld [tilespmem:s30+$0xFFFFFE40];
	[tilespmem:s25+$0xFFFFFE70] =	vst v1;
	v2 =	vmul.f32 $8.000000000e+00, v7  }
0x1b7: {  	v7 =	vmul.f32 $8.000000000e+00, v8;
	v1 =	vld [tilespmem:s26+$0xFFFFFE80];
	[tilespmem:s25+$0xFFFFFEF0] =	vst v0  }
0x1b8: {  	v0 =	vld [tilespmem:s26+$0xFFFFFF00];
	[tilespmem:s25+$0xFFFFFF70] =	vst v2;
	v3 =	vmul.f32 $8.000000000e+00, v3  }
0x1b9: {  	v6 =	vmul.f32 $8.000000000e+00, v6;
	[tilespmem:s28+$0xFFFFFFC0] =	vst v7;
	v2 =	vld [tilespmem:s26+$0xFFFFFF80];
	s26 =	smov.u32 s30;
	s30 =	sadd.s32 $0x200, s30  }
0x1ba: {  	v4 =	vmul.f32 $8.000000000e+00, v4  }
0x1bb: {  	v7 =	vld [tilespmem:s26+$0xFFFFFFD0];
	v5 =	vmul.f32 $8.000000000e+00, v5;
	[tilespmem:s28+$0xFFFFFEC0] =	vst v6  }
0x1bc: {  	[tilespmem:s28+$0xFFFFFF40] =	vst v4;
	v51 =	vld [tilespmem:s26+$0xFFFFFED0]  }
0x1bd: {  	[tilespmem:s28+$0xFFFFFE40] =	vst v5;
	v52 =	vld [tilespmem:s26+$0xFFFFFF50]  }
0x1be: {  	v5 =	vld [tilespmem:s26+$0xFFFFFE50];
	_ =	sdelay $0x1  }
0x1bf: {  	v7 =	vmul.f32 $8.000000000e+00, v7  }
0x1c0: {  	v4 =	vmul.f32 $8.000000000e+00, v51  }
0x1c1: {  	[tilespmem:s28+$0xFFFFFFD0] =	vst v7;
	v53 =	vmul.f32 $8.000000000e+00, v52  }
0x1c2: {  	v7 =	vld [tilespmem:s26+$0xFFFFFFE0];
	v5 =	vmul.f32 $8.000000000e+00, v5;
	[tilespmem:s28+$0xFFFFFED0] =	vst v4  }
0x1c3: {  	v4 =	vld [tilespmem:s26+$0xFFFFFEE0];
	[tilespmem:s28+$0xFFFFFF50] =	vst v53  }
0x1c4: {  	[tilespmem:s28+$0xFFFFFE50] =	vst v5;
	v5 =	vld [tilespmem:s26+$0xFFFFFF60]  }
0x1c5: {  	v54 =	vld [tilespmem:s26+$0xFFFFFE60];
	_ =	sdelay $0x1  }
0x1c6: {  	v7 =	vmul.f32 $8.000000000e+00, v7  }
0x1c7: {  	v4 =	vmul.f32 $8.000000000e+00, v4  }
0x1c8: {  	[tilespmem:s28+$0xFFFFFFE0] =	vst v7;
	v5 =	vmul.f32 $8.000000000e+00, v5  }
0x1c9: {  	v7 =	vld [tilespmem:s26+$0xFFFFFFF0];
	v6 =	vmul.f32 $8.000000000e+00, v54;
	[tilespmem:s28+$0xFFFFFEE0] =	vst v4  }
0x1ca: {  	v4 =	vld [tilespmem:s26+$0xFFFFFEF0];
	[tilespmem:s28+$0xFFFFFF60] =	vst v5  }
0x1cb: {  	[tilespmem:s28+$0xFFFFFE60] =	vst v6;
	v5 =	vld [tilespmem:s26+$0xFFFFFF70]  }
0x1cc: {  	v6 =	vld [tilespmem:s26+$0xFFFFFE70];
	_ =	sdelay $0x1  }
0x1cd: {  	v7 =	vmul.f32 $8.000000000e+00, v7  }
0x1ce: {  	v4 =	vmul.f32 $8.000000000e+00, v4  }
0x1cf: {  	[tilespmem:s28+$0xFFFFFFF0] =	vst v7;
	v5 =	vmul.f32 $8.000000000e+00, v5  }
0x1d0: {  	v55 =	vld [tilespmem:s26+$0x0];
	v6 =	vmul.f32 $8.000000000e+00, v6;
	[tilespmem:s28+$0xFFFFFEF0] =	vst v4  }
0x1d1: {  	[tilespmem:s28+$0xFFFFFF70] =	vst v5;
	v57 =	vld [tilespmem:s26+$0xFFFFFF00]  }
0x1d2: {  	v1 =	vmul.f32 $8.000000000e+00, v1;
	[tilespmem:s28+$0xFFFFFE70] =	vst v6;
	v58 =	vld [tilespmem:s26+$0xFFFFFF80]  }
0x1d3: {  	[tilespmem:s25+$0x0] =	vst v3;
	v0 =	vmul.f32 $8.000000000e+00, v0;
	v56 =	vld [tilespmem:s26+$0xFFFFFE80]  }
0x1d4: {  	[tilespmem:s25+$0xFFFFFE80] =	vst v1;
	v59 =	vmul.f32 $8.000000000e+00, v2  }
0x1d5: {  	[tilespmem:s25+$0xFFFFFF00] =	vst v0;
	v60 =	vmul.f32 $8.000000000e+00, v55  }
0x1d6: {  	[tilespmem:s25+$0xFFFFFF80] =	vst v59;
	v62 =	vmul.f32 $8.000000000e+00, v57  }
.Ltmp6:
0x1d7: {  	s24 =	sadd.s32 s4, s24;
	[tilespmem:s28+$0x0] =	vst v60;
	v63 =	vmul.f32 $8.000000000e+00, v58;
	(pc) =	sbr.rel @p0 .LBB2_12-.Ltmp6, $4  }
0x1d8: {  	s24 =	smul.u32 $0x640, s24;
	v61 =	vmul.f32 $8.000000000e+00, v56;
	[tilespmem:s28+$0xFFFFFF00] =	vst v62  }
0x1d9: {  	[tilespmem:s28+$0xFFFFFF80] =	vst v63  }
0x1da: {  	s24 =	sadd.s32 s2, s24;
	[tilespmem:s28+$0xFFFFFE80] =	vst v61  }
0x1db: {  	[hbm4b:s24+s3] =	stream.linear.scatter [tilespmem:s19], [sflag:$0x4], $0x3200, $0x38;
	[tilespmem:$0x19000] =	vst v63  }
0x1dc: {  	s24 =	smul.u32 $0x640, s23  }
.Ltmp7:
0x1dd: {  	_ = 	snop;
	(pc) =	sbr.rel .LBB2_4-.Ltmp7, $4  }
0x1de: {  	_ = 	snop  }
0x1df: {  	s24 =	sshra.s32 s24, $0x2  }
0x1e0: {  	s23 =	sadd.s32 $0x1, s23;
	s24 =	sadd.s32 $0x6658, s24  }
0x1e1: {  	[tilespmem:s15], [sflag:$0x2] =	stream.indirect.gather [hbm4b:s5+s11], $0x40, s24, s11, $0xb8;
	[tilespmem:$0x19000] =	vst v63  }
.LBB2_13:
0x1e2: {  	_ =	sfence.sel $0x180000  }
0x1e3: {  	[bflag:$0x0] =	sbarrier.arrive $0xFFFF  }
0x1e4: {  	p0 =	sne.s32 s1, $0x0;
	_ =	strace $0x90000047  }
0x1e5: {  	s0 =	sadd.s32 @!p0 $0x100000, s0;
	[bflag:$0x2] =	sbarrier.arrive $0xFFFF  }
0x1e6: {  	[sflag:s0] =	ssyncadd.tile.s32 @!p0 $0x1;
	_ =	shalt  }
.Lfunc_end2:
_tile_overlayer_lowered:
.L_overlay_start_2:
0x1e7: {  	(tag) =	ssettag $0x2  }
0x1e8: {  	s0 =	rddreg [dreg:$0x0];
	s2 =	stileid.u32  }
0x1e9: {  	s1 =	rddreg [dreg:$0x1];
	p0 =	sne.s32 s2, $0x0  }
0x1ea: {  	s3 =	rddreg [dreg:$0x2];
	[bflag:$0x3] =	sbarrier.arrive $0xFFFF;
	s2 =	simm.s32 @!p0 $0x1C05  }
0x1eb: {  	[timem:s3], [sflag:s2] =	dma.local @!p0 [hbm:s0], s1  }
0x1ec: {  	s0 =	simm.s32 @!p0 $0x5  }
0x1ed: {  	_ =	swait.ge @!p0 [sflag:s0], s1  }
0x1ee: {  	s1 =	ssub.s32 @!p0 $0x0, s1;
	[sflag:s0] =	ssyncset.done @!p0 $0x0  }
0x1ef: {  	[sflag:s0] =	ssyncadd.s32 @!p0 s1  }
0x1f0: {  	[bflag:$0x3] =	sbarrier.arrive $0xFFFF  }
0x1f1: {  	_ =	shalt  }

// kernel: sparse-core-data-format-call.cloned.1.call-start
scs
called_computation_lowered:
.L_overlay_start_0:
0x0: {  	s2 =	sld [smem:$0x3FD9]  }
0x1: {  	s3 =	sld [smem:$0x3FFE];
	_ =	sdelay $0x1  }
0x2: {  	s1 =	srdreg.scid  }
0x3: {  	s0 =	sand.u32 $0x1, s1  }
0x4: {  	s18 =	sshll.u32 s0, $0xA;
	s2 =	sadd.s32 s3, s2  }
0x5: {  	s2 =	sadd.s32 s2, s18  }
0x6: {  	[smem:$0x3FC6] =	sst s2  }
0x7: {  	_ = 	snop  }
0x8: {  	s2 =	sld [smem:$0x3FD0];
	(tm) =	ssettm $0x1  }
0x9: {  	s19 =	sld [smem:$0x3FFB];
	_ =	sdelay $0x3  }
0xa: {  	_ =	strace s19  }
0xb: {  	s3 =	sld [smem:$0x3FFC];
	_ =	sdelay $0x3  }
0xc: {  	_ =	strace s3  }
0xd: {  	s3 =	sld [smem:$0x3FFD];
	_ =	sdelay $0x3  }
0xe: {  	_ =	strace s3  }
0xf: {  	_ =	strace $0x8FFFFFFF  }
0x10: {  	s20 =	sld [smem:$0x3FDB];
	_ =	sdelay $0x1  }
0x11: {  	s4 =	simm.s32 $_scs_section_size  }
0x12: {  	s5 =	simm.s32 $_size__tile_overlayer_lowered;
	s6 =	simm.s32 $_tile_overlayer_lowered  }
0x13: {  	s23 =	simm.s32 $0x1BFF;
	s22 =	sshll.u32 s6, $0x1;
	s3 =	sadd.s32 s4, s20  }
0x14: {  	s7 =	simm.s32 $0x0;
	s21 =	sshll.u32 s5, $0x1;
	s5 =	sadd.s32 s22, s3  }
0x15: {  	[timem:s7], [sflag:s23] =	dma.local [hbm:s5], s21  }
0x16: {  	_ =	swait.ge [sflag:s23], s21  }
0x17: {  	s4 =	ssub.s32 $0x0, s21;
	[sflag:s23] =	ssyncset.done $0x0  }
0x18: {  	[sflag:s23] =	ssyncadd.s32 s4;
	_ =	sdelay $0x1  }
0x19: {  	s24 =	simm.s32 $0x1B8B  }
0x1a: {  	_ =	swait.ge [sflag:s24], $0x1  }
0x1b: {  	[sflag:s24] =	ssyncset.done $0x0  }
0x1c: {  	s26 =	simm.s32 $0x1B8E;
	s25 =	sld [smem:$0x3FFE];
	[sflag:s24] =	ssyncadd.s32 $0xFFFFFFFF  }
0x1d: {  	s27 =	simm.s32 $execute0_lowered;
	[smem:$0x3FD2] =	sst s26  }
0x1e: {  	s5 =	sshll.u32 s27, $0x1;
	_ =	strace $0x80000049;
	[dreg:$0x1] =	wrdreg $0xFFFFFFFF  }
0x1f: {  	s28 =	simm.s32 $_size_execute0_lowered;
	s3 =	sadd.s32 s3, s5;
	[dreg:$0x0] =	wrdreg $0x0  }
0x20: {  	s5 =	sshll.u32 s28, $0x1;
	[dreg:$0x2] =	wrdreg s3  }
0x21: {  	[dreg:$0x3] =	wrdreg s5  }
0x22: {  	[dreg:$0x4] =	wrdreg $0xC0  }
0x23: {  	_ =	task [dreg:s7], $0x5FFFF  }
0x24: {  	[dreg:$0x1] =	wrdreg $0xFFFFFFFF  }
0x25: {  	[dreg:$0x0] =	wrdreg $0x60  }
0x26: {  	[dreg:$0x2] =	wrdreg s25  }
0x27: {  	[dreg:$0x3] =	wrdreg s2  }
0x28: {  	[dreg:$0x4] =	wrdreg $0x9  }
0x29: {  	_ =	task.clear_ibuf [dreg:s7], $0x5FFFF;
	_ =	strace $0x90000049  }
0x2a: {  	s29 =	simm.s32 $0x9;
	_ =	strace $0x8000004B  }
0x2b: {  	_ =	swait.ge [sflag:s29], $0x1  }
0x2c: {  	[sflag:s29] =	ssyncadd.s32 $0xFFFFFFFF  }
0x2d: {  	_ =	strace $0x9000004B  }
0x2e: {  	_ =	sfence  }
0x2f: {  	s30 =	sld [smem:$0x0];
	_ =	sdelay $0x2  }
0x30: {  	s31 =	sshll.u32 s1, $0xD;
	s1 =	sshrl.u32 s1, $0x2  }
0x31: {  	s3 =	sand.u32 $0x4000, s31;
	s1 =	sadd.s32 s1, s30  }
0x32: {  	s0 =	sor.u32 s3, s0;
	s1 =	sshll.u32 s1, $0x11  }
0x33: {  	s0 =	sor.u32 s1, s0  }
0x34: {  	s0 =	sadd.s32 $0x8F2B, s0  }
0x35: {  	[sflag:s0] =	ssyncadd.remote.s32 $0x1  }
0x36: {  	_ =	sfence.sel $0xFFFF  }
0x37: {  	[dreg:$0x0] =	wrdreg $0xFFFFFFFF;
	(pc) =	sbr.abs _section_cstart, $3  }
0x38: {  	[dreg:$0x1] =	wrdreg $0xFFFFFFFF  }
0x39: {  	_ =	task.clear_ibuf [dreg:s7], $0x2FFFF;
	_ =	strace $0x9FFFFFFF  }
0x3a: {  	(tm) =	ssettm $0x7FFFFFFF  }
0x3b: {  	_ =	shalt  }
tec
execute0_lowered:
.L_overlay_start_1:
0x0: {  	(tag) =	ssettag $0x1  }
0x1: {  	s0 =	srdreg.scid  }
0x2: {  	s1 =	sshll.u32 s0, $0x4  }
0x3: {  	s0 =	stileid.u32;
	s1 =	sand.u32 $0x10, s1  }
0x4: {  	s1 =	sor.u32 s0, s1  }
0x5: {  	s6 =	rddreg [dreg:$0x0];
	s4 =	simm.s32 $0x1;
	s2 =	sshll.u32 s1, $0x7  }
0x6: {  	s7 =	simm.s32 $0x2;
	s12 =	simm.s32 $0x0;
	s1 =	ssub.s32 $0x1000, s2  }
0x7: {  	s8 =	simm.s32 $0x8000;
	s13 =	simm.s32 $0x0;
	s3 =	sand.u32 $0xF80, s1  }
0x8: {  	s9 =	simm.s32 $0x0;
	s5 =	sshrl.u32 s1, $0xC;
	p0 =	sne.s32 s3, $0x0  }
.Ltmp0:
0x9: {  	s1 =	rddreg [dreg:$0x2];
	s4 =	simm.s32 @!p0 $0x0;
	(pc) =	sbr.rel .LBB1_1-.Ltmp0, $4  }
0xa: {  	s11 =	simm.s32 $0x0;
	s3 =	rddreg [dreg:$0x1];
	s5 =	sadd.s32 s4, s5  }
0xb: {  	_ =	strace $0x8000004A;
	s4 =	simm.s32 $0x1;
	s5 =	smul.u32 $0xC8, s5  }
0xc: {  	s6 =	sadd.s32 $0xE00, s6;
	s10 =	smov.u32 s2;
	[sflag:s4] =	ssyncpa.u1 $0x0  }
0xd: {  	p0 =	por $0x0, $0x0;
	[sflag:s7] =	ssyncpa.u1 $0x0;
	s7 =	sor.u32 $0x1, s5  }
.LBB1_4:
0xe: {  	s16 =	sshll.u32 s13, $0x3;
	s17 =	sand.u32 $0x78, s13  }
0xf: {  	s30 =	sand.u32 $0x7E00, s13;
	s12 =	sshll.u32 s12, $0xF;
	s16 =	sand.u32 $0xC00, s16  }
0x10: {  	[tilespmem:s15+$0x810 ss:$0x81] =	vst.msk $0xffff, v2;
	s31 =	sand.u32 $0x7, s13;
	s16 =	sor.u32 s17, s16;
	s17 =	sadd.s32 s3, s30  }
0x11: {  	[tilespmem:s15+$0x1020 ss:$0x81] =	vst.msk $0xffff, v0;
	s13 =	sshll.u32 s31, $0x12;
	s12 =	sadd.s32 s12, s17;
	s16 =	sshrl.u32 s16, $0x3  }
0x12: {  	[tilespmem:s15+$0x0 ss:$0x81] =	vst.msk $0xffff, v1;
	s13 =	sor.u32 $0x400, s13;
	s12 =	sadd.s32 s16, s12  }
0x13: {  	[hbm4b:s12+s13] =	stream.strided.scatter [tilespmem:s14], [sflag:$0x2], $0x2000, s8, s13, $0x20;
	[tilespmem:$0x8080] =	vst v63  }
.LBB1_5:
0x14: {  	s14 =	sadd.s32 $0x1, s9  }
0x15: {  	s12 =	sadd.s32 $0x1000, s10;
	s16 =	smov.u32 s10;
	p2 =	sgt.s32 s14, $0xC7  }
0x16: {  	s16 =	smov.u32 @p2 s12  }
0x17: {  	s14 =	simm.s32 @p2 $0x0;
	p2 =	sgt.s32 s16, $0xFFF  }
0x18: {  	s16 =	smov.u32 @p2 s2;
	p2 =	sne.s32 s11, s7  }
.Ltmp1:
0x19: {  	p1 =	slt.u32 s11, $0x2;
	(pc) =	sbr.rel @!p2 .LBB1_6-.Ltmp1, $4  }
0x1a: {  	s15 =	simm.s32 @!p1 $0x2  }
0x1b: {  	s13 =	smov.u32 s10;
	p0 =	por !p0, !p0;
	_ =	swait.ge @!p1 [sflag:s15], $0x2000  }
0x1c: {  	s12 =	smov.u32 s9;
	[sflag:s15] =	ssyncset.done @!p1 $0x0;
	s9 =	smov.u32 s14  }
0x1d: {  	s11 =	sadd.s32 $0x1, s11;
	[sflag:s15] =	ssyncadd.s32 @!p1 $0xFFFFE000;
	s10 =	smov.u32 s16  }
.LBB1_1:
0x1e: {  	p1 =	sge.u32 s11, s5  }
0x1f: {  	s14 =	sand.u32 @!p1 $0x1FFFFFF, s9  }
0x20: {  	s15 =	smulhi.u32 @!p1 $0x147AE15, s14;
	_ =	sdelay $0x1  }
0x21: {  	s15 =	smul.u32 @!p1 $0xC8, s15  }
0x22: {  	s16 =	sxor.u32 @!p1 $0xFFFFFFFF, s11;
	s17 =	smul.u32 @!p1 $0xC80, s10  }
0x23: {  	s31 =	sadd.s32 $0xFFFFFFFF, s11;
	s16 =	sshll.u32 @!p1 s16, $0xD;
	s14 =	ssub.s32 @!p1 s14, s15  }
0x24: {  	s15 =	sand.u32 @!p1 $0x2000, s16;
	s16 =	sadd.s32 @!p1 s6, s17;
	s14 =	sshll.u32 @!p1 s14, $0x4  }
0x25: {  	s17 =	simm.s32 @!p1 $0x6400;
	s14 =	sadd.s32 @!p1 s14, s16;
	s16 =	simm.s32 @!p1 $0x40  }
0x26: {  	[tilespmem:s15], [sflag:$0x1] =	stream.strided.gather @!p1 [hbm4b:s14+s16], $0x2000, s17, s16, $0x38;
	[tilespmem:$0x8080] =	vst v63  }
0x27: {  	p1 =	sge.u32 s31, s5  }
.Ltmp2:
0x28: {  	_ = 	snop;
	(pc) =	sbr.rel @p1 .LBB1_5-.Ltmp2, $1  }
0x29: {  	_ =	sdelay $0x3  }
0x2a: {  	s14 =	simm.s32 $0x1  }
0x2b: {  	_ =	swait.ge [sflag:s4], $0x2000;
	s14 =	simm.s32 @!p0 $0x0  }
0x2c: {  	[sflag:s4] =	ssyncset.done $0x0;
	s15 =	sshll.u32 s14, $0xD  }
0x2d: {  	[sflag:s4] =	ssyncadd.s32 $0xFFFFE000;
	s18 =	sor.u32 $0x20, s15  }
0x2e: {  	s14 =	smul.u32 $0x8100, s14;
	v3 =	vld [tilespmem:s18+$0x10]  }
0x2f: {  	s30 =	sand.u32 $0x1, s11;
	v2 =	vld [tilespmem:s18+$0xFFFFFFF0]  }
0x30: {  	s15 =	smul.u32 $0x8100, s30;
	s14 =	sshrl.u32 s14, $0x2;
	v0 =	vld [tilespmem:s18+$0x0]  }
0x31: {  	v1 =	vld [tilespmem:s18+$0xFFFFFFE0];
	s16 =	sor.u32 $0x4000, s14  }
0x32: {  	s31 =	sshrl.u32 s15, $0x2;
	s15 =	sadd.s32 $0x0, s16  }
0x33: {  	s17 =	simm.s32 $0x4;
	s18 =	sadd.s32 $0x40, s18;
	s14 =	sor.u32 $0x4000, s31;
	[tilespmem:s15+$0x1830 ss:$0x81] =	vst.msk $0xffff, v3  }
.LBB1_3:
0x34: {  	v3 =	vld [tilespmem:s18+$0x10];
	p1 =	sne.s32 s17, $0x1FC;
	[tilespmem:s15+$0x810 ss:$0x81] =	vst.msk $0xffff, v2;
	s19 =	smov.u32 s17;
	s17 =	sadd.s32 $0x4, s17  }
.Ltmp3:
0x35: {  	v2 =	vld [tilespmem:s18+$0xFFFFFFF0];
	[tilespmem:s15+$0x1020 ss:$0x81] =	vst.msk $0xffff, v0;
	(pc) =	sbr.rel @p1 .LBB1_3-.Ltmp3, $4  }
0x36: {  	v0 =	vld [tilespmem:s18+$0x0];
	[tilespmem:s15+$0x0 ss:$0x81] =	vst.msk $0xffff, v1  }
0x37: {  	s15 =	sshra.s32 s19, $0x2;
	v1 =	vld [tilespmem:s18+$0xFFFFFFE0]  }
0x38: {  	s15 =	sadd.s32 s15, s16  }
0x39: {  	s18 =	sadd.s32 $0x40, s18;
	[tilespmem:s15+$0x1830 ss:$0x81] =	vst.msk $0xffff, v3  }
.Ltmp4:
0x3a: {  	_ = 	snop;
	(pc) =	sbr.rel .LBB1_4-.Ltmp4, $1  }
0x3b: {  	_ =	sdelay $0x3  }
.LBB1_6:
0x3c: {  	_ =	sfence.sel $0x180000  }
0x3d: {  	s2 =	simm.s32 $0x1;
	[bflag:$0x0] =	sbarrier.arrive $0xFFFF  }
0x3e: {  	s31 =	simm.s32 $0x2;
	[sflag:s2] =	ssyncpa.u1 $0x1  }
0x3f: {  	[sflag:s31] =	ssyncpa.u1 $0x1  }
0x40: {  	p0 =	sne.s32 s0, $0x0;
	_ =	strace $0x9000004A  }
0x41: {  	s0 =	sadd.s32 @!p0 $0x100000, s1;
	[bflag:$0x2] =	sbarrier.arrive $0xFFFF  }
0x42: {  	[sflag:s0] =	ssyncadd.tile.s32 @!p0 $0x1;
	_ =	shalt  }
.Lfunc_end1:
_tile_overlayer_lowered:
.L_overlay_start_2:
0x43: {  	(tag) =	ssettag $0x2  }
0x44: {  	s0 =	rddreg [dreg:$0x0];
	s2 =	stileid.u32  }
0x45: {  	s1 =	rddreg [dreg:$0x1];
	p0 =	sne.s32 s2, $0x0  }
0x46: {  	s3 =	rddreg [dreg:$0x2];
	[bflag:$0x3] =	sbarrier.arrive $0xFFFF;
	s2 =	simm.s32 @!p0 $0x1C01  }
0x47: {  	[timem:s3], [sflag:s2] =	dma.local @!p0 [hbm:s0], s1  }
0x48: {  	s0 =	simm.s32 @!p0 $0x1  }
0x49: {  	_ =	swait.ge @!p0 [sflag:s0], s1  }
0x4a: {  	s1 =	ssub.s32 @!p0 $0x0, s1;
	[sflag:s0] =	ssyncset.done @!p0 $0x0  }
0x4b: {  	[sflag:s0] =	ssyncadd.s32 @!p0 s1  }
0x4c: {  	[bflag:$0x3] =	sbarrier.arrive $0xFFFF  }
0x4d: {  	_ =	shalt  }

</sc_bundles>
